<compile_context>
chip_gen: v7x
topology: tpu7x:2x2x1
jax: 0.10.2.dev20260603
libtpu: 0.0.44.dev20260713+nightly
codegen_flags: <defaults>
</compile_context>

<pallas_src>
import jax
import jax.numpy as jnp
from jax import lax
from jax.experimental import pallas as pl
from jax.experimental.pallas import tpu as pltpu
from jax.experimental.pallas import tpu_sc as plsc

N = 10000
E = 160000
B = 16
CIN = 128
HID = 256
COUT = 10
K = 4
NP = 10240
BNP = B * NP
BN_ROWS = B * N
CC = 128
HC = HID // CC

NT = 16
NC = 2
EPT = E // NT
EB = 160
TAIL = EPT - (EPT // EB) * EB
BLOCKS = [(i * EB, EB) for i in range(EPT // EB)] + [((EPT // EB) * EB, TAIL)]
RPT = NP // NT
DR = 64
NDR = RPT // DR


def _mesh():
    return plsc.VectorSubcoreMesh(core_axis_name="c", subcore_axis_name="s")


def _deg_body(e32, out, ids, ones, zb, db, acc):
    cid = lax.axis_index("c")
    tid = lax.axis_index("s")
    one16 = jnp.ones((16,), jnp.float32)
    zero16 = jnp.zeros((16,), jnp.float32)

    def fill(i, _):
        ones[pl.ds(i * 16, 16)] = one16
        return 0
    lax.fori_loop(0, 400 // 16, fill, 0)

    def fillz(i, _):
        zb[pl.ds(i * 16, 16)] = zero16
        return 0
    lax.fori_loop(0, 640 // 16, fillz, 0)

    pltpu.sync_copy(zb, acc.at[pl.ds(tid * 640, 640)])
    plsc.subcore_barrier()
    for j in range(EPT // 400):
        off = cid * E + tid * EPT + j * 400
        pltpu.sync_copy(e32.at[pl.ds(off, 400)], ids)
        pltpu.sync_copy(ones, acc.at[ids], add=True)
    plsc.subcore_barrier()
    pltpu.sync_copy(acc.at[pl.ds(tid * 640, 640)], db)
    pltpu.sync_copy(db, out.at[pl.ds(cid * NP + tid * 640, 640)])


@jax.jit
def _degrees(e32):
    return pl.kernel(
        _deg_body,
        out_type=jax.ShapeDtypeStruct((NC * NP,), jnp.float32),
        mesh=_mesh(),
        scratch_types=[
            pltpu.VMEM((400,), jnp.int32),
            pltpu.VMEM((400,), jnp.float32),
            pltpu.VMEM((640,), jnp.float32),
            pltpu.VMEM((640,), jnp.float32),
            pltpu.VMEM_SHARED((NP,), jnp.float32),
        ],
    )(e32)


def _sval(s_t, idx):
    return s_t[pl.ds(idx, 16)][0]


def _gpass(src_view, acc, soff, e32, cid, tid, bufs, ib, sems):
    isrc0, isrc1, isrc_t, idst0, idst1, idst_t = ib
    isrcs = (isrc0, isrc1)
    idsts = (idst0, idst1)
    gsems, ssems = sems
    idx_base = cid * E + tid * EPT
    nb = len(BLOCKS)

    def _gather(blk, p):
        off, sz = BLOCKS[blk]
        iref = isrcs[p] if sz == EB else isrc_t
        pltpu.sync_copy(soff.at[pl.ds(idx_base + off, sz)], iref)
        dst = bufs[p] if sz == EB else bufs[p].at[pl.ds(0, TAIL)]
        return pltpu.async_copy(src_view.at[iref], dst, gsems[p])

    def _scatter(blk, p):
        off, sz = BLOCKS[blk]
        dref = idsts[p] if sz == EB else idst_t
        pltpu.sync_copy(e32.at[pl.ds(E + tid * EPT + off, sz)], dref)
        srcb = bufs[p] if sz == EB else bufs[p].at[pl.ds(0, TAIL)]
        return pltpu.async_copy(srcb, acc.at[dref], ssems[p], add=True)

    d_g = [None, None]
    d_s = [None, None]
    d_g[0] = _gather(0, 0)
    for j in range(nb):
        p = j % 2
        if j + 1 < nb:
            if d_s[1 - p] is not None:
                d_s[1 - p].wait()
                d_s[1 - p] = None
            d_g[1 - p] = _gather(j + 1, 1 - p)
        d_g[p].wait()
        d_s[p] = _scatter(j, p)
    for p in (0, 1):
        if d_s[p] is not None:
            d_s[p].wait()


def _cheb_body(xh, e32, soff, st, ncnt, t1, t2, t3, sS,
               isrc0, isrc1, isrc_t, idst0, idst1, idst_t, r0b, r1b, s_t,
               nbuf, sem0, sem1, sem2, sem3, acc):
    cid = lax.axis_index("c")
    tid = lax.axis_index("s")
    r0 = tid * RPT
    bufs = (r0b, r1b)
    ib = (isrc0, isrc1, isrc_t, idst0, idst1, idst_t)
    sems = ((sem0, sem1), (sem2, sem3))
    dbuf_v, sclb_v = r0b.at[pl.ds(0, DR)], r0b.at[pl.ds(DR, DR)]
    xbuf_v, zbuf_v = r1b.at[pl.ds(0, DR)], r1b.at[pl.ds(DR, DR)]
    sW = cid * NP

    pltpu.sync_copy(st.at[pl.ds(tid * 640, 640)], s_t)
    pltpu.sync_copy(ncnt.at[pl.ds(0, 16)], nbuf)
    nchc = nbuf[pl.ds(0, 16)][0]

    def refill_zeros():
        zero16 = jnp.zeros((16,), jnp.float32)

        def body(r, _):
            for w in range(CC // 16):
                r1b[DR + r, pl.ds(w * 16, 16)] = zero16
            return 0
        lax.fori_loop(0, DR, body, 0)

    def chunk_body(ci, _):
        ch = ci * NC + cid
        h = ch // B
        b = ch % B
        rowbase = b * NP + r0
        col = h * CC

        refill_zeros()
        d_s = d_z = None
        for i in range(NDR):
            d_b = pltpu.async_copy(
                xh.at[pl.ds(rowbase + i * DR, DR), pl.ds(col, CC)],
                xbuf_v, sem1)
            if d_s is not None:
                d_s.wait()
            d_b.wait()

            def s0(r, _):
                sv = _sval(s_t, i * DR + r)
                for w in range(CC // 16):
                    r0b[DR + r, pl.ds(w * 16, 16)] = (
                        sv * r1b[r, pl.ds(w * 16, 16)])
                return 0
            lax.fori_loop(0, DR, s0, 0)
            d_s = pltpu.async_copy(
                sclb_v, sS.at[pl.ds(sW + r0 + i * DR, DR)], sem0)
            if d_z is not None:
                d_z.wait()
            d_z = pltpu.async_copy(
                zbuf_v, acc.at[pl.ds(r0 + i * DR, DR)], sem2)
        d_s.wait()
        d_z.wait()
        plsc.subcore_barrier()

        for stage in (1, 2, 3):
            _gpass(sS, acc, soff, e32, cid, tid, bufs, ib, sems)
            plsc.subcore_barrier()
            out_ref = (t1, t2, t3)[stage - 1]
            refill_zeros()
            d_o = d_s = d_z = None
            for i in range(NDR):
                lsl = pl.ds(r0 + i * DR, DR)
                hsl = pl.ds(rowbase + i * DR, DR)
                csl = pl.ds(col, CC)
                if d_o is not None:
                    d_o.wait()
                if d_s is not None:
                    d_s.wait()
                if d_z is not None:
                    d_z.wait()
                d_a = pltpu.async_copy(acc.at[lsl], dbuf_v, sem0)
                d_b = None
                if stage == 2:
                    d_b = pltpu.async_copy(xh.at[hsl, csl], xbuf_v, sem1)
                elif stage == 3:
                    d_b = pltpu.async_copy(t1.at[hsl, csl], xbuf_v, sem1)
                d_a.wait()
                d_z = pltpu.async_copy(zbuf_v, acc.at[lsl], sem2)
                if d_b is not None:
                    d_b.wait()

                def combine(r, _):
                    sv = _sval(s_t, i * DR + r)
                    for w in range(CC // 16):
                        ws = pl.ds(w * 16, 16)
                        a = r0b[r, ws]
                        if stage == 1:
                            tv = -a
                        else:
                            tv = -2.0 * a - r1b[r, ws]
                        r0b[r, ws] = tv
                        if stage < 3:
                            r0b[DR + r, ws] = sv * tv
                    return 0
                lax.fori_loop(0, DR, combine, 0)
                d_o = pltpu.async_copy(dbuf_v, out_ref.at[hsl, csl], sem3)
                d_s = None
                if stage < 3:
                    d_s = pltpu.async_copy(
                        sclb_v, sS.at[pl.ds(sW + r0 + i * DR, DR)], sem0)
            d_o.wait()
            if d_s is not None:
                d_s.wait()
            d_z.wait()
            plsc.subcore_barrier()
        return 0

    lax.fori_loop(0, nchc, chunk_body, 0)


def _make_cheb():
    sds = jax.ShapeDtypeStruct((BNP, HID), jnp.float32)
    return pl.kernel(
        _cheb_body,
        out_type=(sds, sds, sds,
                  jax.ShapeDtypeStruct((NC * NP, CC), jnp.float32)),
        mesh=_mesh(),
        scratch_types=[
            pltpu.VMEM((EB,), jnp.int32),
            pltpu.VMEM((EB,), jnp.int32),
            pltpu.VMEM((TAIL,), jnp.int32),
            pltpu.VMEM((EB,), jnp.int32),
            pltpu.VMEM((EB,), jnp.int32),
            pltpu.VMEM((TAIL,), jnp.int32),
            pltpu.VMEM((EB, CC), jnp.float32),
            pltpu.VMEM((EB, CC), jnp.float32),
            pltpu.VMEM((640,), jnp.float32),
            pltpu.VMEM((16,), jnp.int32),
            pltpu.SemaphoreType.DMA,
            pltpu.SemaphoreType.DMA,
            pltpu.SemaphoreType.DMA,
            pltpu.SemaphoreType.DMA,
            pltpu.VMEM_SHARED((NP, CC), jnp.float32),
        ],
    )


def _mm4_body(t0, t1, t2, t3, w, bias, vcol, out):
    acc = jnp.dot(t0[...], w[0], preferred_element_type=jnp.float32)
    acc += jnp.dot(t1[...], w[1], preferred_element_type=jnp.float32)
    acc += jnp.dot(t2[...], w[2], preferred_element_type=jnp.float32)
    acc += jnp.dot(t3[...], w[3], preferred_element_type=jnp.float32)
    y = jnp.maximum(acc * vcol[...] + bias[...], 0.0)
    i = pl.program_id(0)
    r = y.shape[0]
    rid = (i % (NP // r)) * r + lax.broadcasted_iota(jnp.int32, y.shape, 0)
    out[...] = jnp.where(rid < N, y, 0.0)


def _mm4(t0, t1, t2, t3, w, bias, vcol, O):
    R = 640
    C = w.shape[1]
    tspec = pl.BlockSpec((R, C), lambda i: (i, 0))
    return pl.pallas_call(
        _mm4_body,
        grid=(BNP // R,),
        in_specs=[
            tspec, tspec, tspec, tspec,
            pl.BlockSpec((K, C, O), lambda i: (0, 0, 0)),
            pl.BlockSpec((1, O), lambda i: (0, 0)),
            pl.BlockSpec((R, 1), lambda i: (i, 0)),
        ],
        out_specs=pl.BlockSpec((R, O), lambda i: (i, 0)),
        out_shape=jax.ShapeDtypeStruct((BNP, O), jnp.float32),
    )(t0, t1, t2, t3, w, bias.reshape(1, O), vcol)


_cheb = _make_cheb()


def kernel(x, edge_index, W1, b1, W2, b2, W3, b3, W4, b4,
           g2, be2, g3, be3, g4, be4):
    e32 = edge_index.reshape(2 * E)
    soff = jnp.concatenate([edge_index[0], edge_index[0] + NP])

    degs = _degrees(e32)
    deg_out = degs[:N]
    deg_in = degs[NP:NP + N]
    u = jnp.where(deg_out > 0, lax.rsqrt(jnp.maximum(deg_out, 1.0)), 0.0)
    v = jnp.where(deg_in > 0, lax.rsqrt(jnp.maximum(deg_in, 1.0)), 1.0)
    s = u * v
    invv = jnp.where(deg_in > 0, jnp.sqrt(jnp.maximum(deg_in, 1.0)), 1.0)

    s_tiles = jnp.pad(s, (0, NP - N))
    nc_half = jnp.full((16,), (B * 1) // NC, jnp.int32)
    nc_full = jnp.full((16,), (B * HC) // NC, jnp.int32)
    v_pad = jnp.pad(v, (0, NP - N), constant_values=1.0)
    invv_pad = jnp.pad(invv, (0, NP - N), constant_values=1.0)
    v_rows = jnp.tile(v_pad, B)[:, None]
    invv_rows = jnp.tile(invv_pad, B)[:, None]

    def bn_prescale(y, g, be):
        m = jnp.sum(y, axis=0) / BN_ROWS
        var = jnp.sum(y * y, axis=0) / BN_ROWS - m * m
        alpha = g * lax.rsqrt(var + 1e-5)
        beta = be - m * alpha
        return (y * alpha[None, :] + beta[None, :]) * invv_rows

    xt = jnp.pad(x.transpose(0, 2, 1),
                 ((0, 0), (0, NP - N), (0, HID - CIN)))
    xh = xt.reshape(BNP, HID) * invv_rows
    t1, t2, t3, _ = _cheb(xh, e32, soff, s_tiles, nc_half)
    y = _mm4(xh, t1, t2, t3, W1, b1, v_rows, HID)

    xh = bn_prescale(y, g2, be2)
    t1, t2, t3, _ = _cheb(xh, e32, soff, s_tiles, nc_full)
    y = _mm4(xh, t1, t2, t3, W2, b2, v_rows, HID)

    xh = bn_prescale(y, g3, be3)
    t1, t2, t3, _ = _cheb(xh, e32, soff, s_tiles, nc_full)
    y = _mm4(xh, t1, t2, t3, W3, b3, v_rows, HID)

    xh = bn_prescale(y, g4, be4)
    w4p = jnp.pad(W4, ((0, 0), (0, 0), (0, 16 - COUT)))
    b4p = jnp.pad(b4, (0, 16 - COUT))
    t1, t2, t3, _ = _cheb(xh, e32, soff, s_tiles, nc_full)
    y4 = _mm4(xh, t1, t2, t3, w4p, b4p, v_rows, 16)

    pooled = y4.reshape(B, NP, 16)[:, :N, :COUT].mean(axis=1)
    return jax.nn.log_softmax(pooled, axis=1)

# --- scband reference (transcript-rebuilt; emitter-appended) ---
"""Pipeline reference for scband-gecheb-net-85787676770930 (READ-ONLY COPY).

The authoritative reference and input builder live on the scoring server;
editing this copy changes nothing except your own understanding.
"""

import jax, jax.numpy as jnp
import numpy as np

N = 10000
E = 160000
B = 16
CIN = 128
HID = 256
COUT = 10
K = 4


def setup_inputs(seed: int = 0):
    key = jax.random.key(seed)
    ks = jax.random.split(key, 8)
    x = jax.random.normal(ks[0], (B, CIN, N), dtype=jnp.float32)
    edge_index = jax.random.randint(ks[1], (2, E), 0, N, dtype=jnp.int32)

    def w(k, cin, cout):
        return jax.random.normal(k, (K, cin, cout), dtype=jnp.float32) * (1.0 / np.sqrt(K * cin))

    return {
        "x": x,
        "edge_index": edge_index,
        "W1": w(ks[2], CIN, HID), "b1": jnp.zeros((HID,), jnp.float32),
        "W2": w(ks[3], HID, HID), "b2": jnp.zeros((HID,), jnp.float32),
        "W3": w(ks[4], HID, HID), "b3": jnp.zeros((HID,), jnp.float32),
        "W4": w(ks[5], HID, COUT), "b4": jnp.zeros((COUT,), jnp.float32),
        "g2": jnp.ones((HID,), jnp.float32), "be2": jnp.zeros((HID,), jnp.float32),
        "g3": jnp.ones((HID,), jnp.float32), "be3": jnp.zeros((HID,), jnp.float32),
        "g4": jnp.ones((HID,), jnp.float32), "be4": jnp.zeros((HID,), jnp.float32),
    }


def _norm_coeffs(edge_index):
    src, dst = edge_index[0], edge_index[1]
    ones = jnp.ones((edge_index.shape[1],), jnp.float32)
    deg_out = jax.ops.segment_sum(ones, src, num_segments=N)
    deg_in = jax.ops.segment_sum(ones, dst, num_segments=N)
    d = jnp.maximum(deg_out[src] * deg_in[dst], 1.0)
    return 1.0 / jnp.sqrt(d)


def _cheb_conv(x, edge_index, norm, W, b):
    # x: [B, C, N]; Chebyshev polynomials of rescaled Laplacian L_hat = L - I = -A_norm (lmax ~ 2)
    Bn, C, Nn = x.shape
    xt = jnp.transpose(x, (2, 0, 1)).reshape(Nn, Bn * C)
    src, dst = edge_index[0], edge_index[1]

    def Lhat(t):
        msg = t[src] * norm[:, None]
        return -jax.ops.segment_sum(msg, dst, num_segments=Nn)

    def apply_w(Wk, t):
        return jnp.einsum('nbc,co->nbo', t.reshape(Nn, Bn, C), Wk)

    T0 = xt
    acc = apply_w(W[0], T0)
    T1 = Lhat(T0)
    acc = acc + apply_w(W[1], T1)
    for k in range(2, W.shape[0]):
        T2 = 2.0 * Lhat(T1) - T0
        acc = acc + apply_w(W[k], T2)
        T0, T1 = T1, T2
    out = acc + b[None, None, :]
    return jnp.transpose(out, (1, 2, 0))  # [B, Cout, N]


def _bn(x, g, be):
    m = x.mean(axis=(0, 2), keepdims=True)
    v = x.var(axis=(0, 2), keepdims=True)
    return (x - m) / jnp.sqrt(v + 1e-5) * g[None, :, None] + be[None, :, None]


def reference(x, edge_index, W1, b1, W2, b2, W3, b3, W4, b4, g2, be2, g3, be3, g4, be4):
    norm = _norm_coeffs(edge_index)
    h = jax.nn.relu(_cheb_conv(x, edge_index, norm, W1, b1))
    h = _bn(h, g2, be2)
    h = jax.nn.relu(_cheb_conv(h, edge_index, norm, W2, b2))
    h = _bn(h, g3, be3)
    h = jax.nn.relu(_cheb_conv(h, edge_index, norm, W3, b3))
    h = _bn(h, g4, be4)
    h = jax.nn.relu(_cheb_conv(h, edge_index, norm, W4, b4))
    pooled = h.mean(axis=2)  # AvgPool1d over num_nodes + squeeze -> [B, COUT]
    return jax.nn.log_softmax(pooled, axis=1)

if __name__ == "__main__":
    import jax
    _d = setup_inputs()
    print(jax.jit(kernel)(*tuple(_d.values())))

</pallas_src>

<mosaic_0001>
#map = affine_map<(d0, d1) -> (0)>
module attributes {stable_mosaic.version = 14 : i64} {
  func.func @_deg_body(%arg0: i32, %arg1: i32, %arg2: memref<320000xi32, #tpu.memory_space<hbm>>, %arg3: memref<20480xf32, #tpu.memory_space<hbm>>, %arg4: memref<400xi32, #tpu.memory_space<vmem>>, %arg5: memref<400xf32, #tpu.memory_space<vmem>>, %arg6: memref<640xf32, #tpu.memory_space<vmem>>, %arg7: memref<640xf32, #tpu.memory_space<vmem>>, %arg8: memref<10240xf32, #tpu.memory_space<vmem_shared>>) attributes {dimension_semantics = [#tpu.dimension_semantics<core_parallel>, #tpu.dimension_semantics<subcore_parallel>], iteration_bounds = array<i64: 2, 16>, scalar_prefetch = 0 : i64, scratch_operands = 5 : i64, tpu.core_type = #tpu.core_type<sc_vector_subcore>, window_params = [{transform_indices = #map}, {transform_indices = #map}]} {
    %broadcast_in_dim3A = arith.constant 1.000000e+00 : f32
    %broadcast_in_dim3A_0 = vector.broadcast %broadcast_in_dim3A : f32 to vector<16xf32>
    %broadcast_in_dim3A_1 = arith.constant 0.000000e+00 : f32
    %broadcast_in_dim3A_2 = vector.broadcast %broadcast_in_dim3A_1 : f32 to vector<16xf32>
    %scan3A = arith.constant 0 : i32
    %scan3A_3 = arith.constant 0 : i32
    %scan3A_4 = arith.constant 25 : i32
    %scan3A_5 = arith.addi %scan3A_3, %scan3A_4 : i32
    %scan3A_6 = arith.constant 1 : i32
    %scan3A_7 = scf.for %scan3A_199 = %scan3A_3 to %scan3A_5 step %scan3A_6 iter_args(%scan3A_200 = %scan3A) -> (i32)  : i32 {
      %mul3A_201 = arith.constant 16 : i32
      %mul3A_202 = arith.muli %scan3A_199, %mul3A_201 : i32
      %swap3A = arith.index_cast %mul3A_202 : i32 to index
      %swap3A_203 = tpu.vector_load %arg5[%swap3A] {strides = array<i32>} : memref<400xf32, #tpu.memory_space<vmem>>, vector<16xf32>,
      %swap3A_204 = vector.shape_cast %swap3A_203 : vector<16xf32> to vector<16xf32>
      %swap3A_205 = vector.shape_cast %broadcast_in_dim3A_0 : vector<16xf32> to vector<16xf32>
      tpu.vector_store %arg5[%swap3A], %swap3A_205 {strides = array<i32>} : memref<400xf32, #tpu.memory_space<vmem>>, vector<16xf32>,
      %scan3A_206 = arith.constant 0 : i32
      scf.yield %scan3A_206 : i32
    }
    %scan3A_8 = arith.constant 25 : i32
    %scan3A_9 = arith.constant 0 : i32
    %scan3A_10 = arith.constant 0 : i32
    %scan3A_11 = arith.constant 40 : i32
    %scan3A_12 = arith.addi %scan3A_10, %scan3A_11 : i32
    %scan3A_13 = arith.constant 1 : i32
    %scan3A_14 = scf.for %scan3A_199 = %scan3A_10 to %scan3A_12 step %scan3A_13 iter_args(%scan3A_200 = %scan3A_9) -> (i32)  : i32 {
      %mul3A_201 = arith.constant 16 : i32
      %mul3A_202 = arith.muli %scan3A_199, %mul3A_201 : i32
      %swap3A = arith.index_cast %mul3A_202 : i32 to index
      %swap3A_203 = tpu.vector_load %arg6[%swap3A] {strides = array<i32>} : memref<640xf32, #tpu.memory_space<vmem>>, vector<16xf32>,
      %swap3A_204 = vector.shape_cast %swap3A_203 : vector<16xf32> to vector<16xf32>
      %swap3A_205 = vector.shape_cast %broadcast_in_dim3A_2 : vector<16xf32> to vector<16xf32>
      tpu.vector_store %arg6[%swap3A], %swap3A_205 {strides = array<i32>} : memref<640xf32, #tpu.memory_space<vmem>>, vector<16xf32>,
      %scan3A_206 = arith.constant 0 : i32
      scf.yield %scan3A_206 : i32
    }
    %scan3A_15 = arith.constant 40 : i32
    %mul3A = arith.constant 640 : i32
    %mul3A_16 = arith.muli %arg1, %mul3A : i32
    "tpu.region"() ({
      %run_scoped3A = tpu.sem_alloc : memref<!tpu.dma_semaphore, #tpu.memory_space<semaphore_mem>>
      %dma_start3A = tpu.memref_slice %arg8[%mul3A_16] : memref<10240xf32, #tpu.memory_space<vmem_shared>> -> memref<640xf32, #tpu.memory_space<vmem_shared>>
      %dma_start3A_199 = tpu.memref_slice %arg8[%mul3A_16] : memref<10240xf32, #tpu.memory_space<vmem_shared>> -> memref<640xf32, #tpu.memory_space<vmem_shared>>
      tpu.enqueue_dma source(%arg6 : memref<640xf32, #tpu.memory_space<vmem>>) target(%dma_start3A_199 : memref<640xf32, #tpu.memory_space<vmem_shared>>) target_semaphore(%run_scoped3A : memref<!tpu.dma_semaphore, #tpu.memory_space<semaphore_mem>>)
      %dma_wait3A = tpu.memref_slice %arg8[%mul3A_16] : memref<10240xf32, #tpu.memory_space<vmem_shared>> -> memref<640xf32, #tpu.memory_space<vmem_shared>>
      %dma_wait3A_200 = tpu.memref_slice %arg8[%mul3A_16] : memref<10240xf32, #tpu.memory_space<vmem_shared>> -> memref<640xf32, #tpu.memory_space<vmem_shared>>
      tpu.wait_dma2 semaphore(%run_scoped3A : memref<!tpu.dma_semaphore, #tpu.memory_space<semaphore_mem>>) src(%arg6 : memref<640xf32, #tpu.memory_space<vmem>>) dst(%dma_wait3A_200 : memref<640xf32, #tpu.memory_space<vmem_shared>>)
      tpu.yield
    }) : () -> ()
    %barrier3A = arith.constant 0 : index
    tpu.barrier barrier_id(%barrier3A)
    %mul3A_17 = arith.constant 160000 : i32
    %mul3A_18 = arith.muli %arg0, %mul3A_17 : i32
    %mul3A_19 = arith.constant 10000 : i32
    %mul3A_20 = arith.muli %arg1, %mul3A_19 : i32
    %add3A = arith.addi %mul3A_18, %mul3A_20 : i32
    %add3A_21 = arith.constant 0 : i32
    %add3A_22 = arith.addi %add3A, %add3A_21 : i32
    "tpu.region"() ({
      %run_scoped3A = tpu.sem_alloc : memref<!tpu.dma_semaphore, #tpu.memory_space<semaphore_mem>>
      %dma_start3A = tpu.memref_slice %arg2[%add3A_22] : memref<320000xi32, #tpu.memory_space<hbm>> -> memref<400xi32, #tpu.memory_space<hbm>>
      %dma_start3A_199 = tpu.memref_slice %arg2[%add3A_22] : memref<320000xi32, #tpu.memory_space<hbm>> -> memref<400xi32, #tpu.memory_space<hbm>>
      tpu.enqueue_dma source(%dma_start3A_199 : memref<400xi32, #tpu.memory_space<hbm>>) target(%arg4 : memref<400xi32, #tpu.memory_space<vmem>>) target_semaphore(%run_scoped3A : memref<!tpu.dma_semaphore, #tpu.memory_space<semaphore_mem>>)
      %dma_wait3A = tpu.memref_slice %arg2[%add3A_22] : memref<320000xi32, #tpu.memory_space<hbm>> -> memref<400xi32, #tpu.memory_space<hbm>>
      %dma_wait3A_200 = tpu.memref_slice %arg2[%add3A_22] : memref<320000xi32, #tpu.memory_space<hbm>> -> memref<400xi32, #tpu.memory_space<hbm>>
      tpu.wait_dma2 semaphore(%run_scoped3A : memref<!tpu.dma_semaphore, #tpu.memory_space<semaphore_mem>>) src(%dma_wait3A_200 : memref<400xi32, #tpu.memory_space<hbm>>) dst(%arg4 : memref<400xi32, #tpu.memory_space<vmem>>)
      tpu.yield
    }) : () -> ()
    "tpu.region"() ({
      %run_scoped3A = tpu.sem_alloc : memref<!tpu.dma_semaphore, #tpu.memory_space<semaphore_mem>>
      %dma_start3A = arith.constant 0 : i32
      %dma_start3A_199 = tpu.memref_slice %arg8[%dma_start3A] : memref<10240xf32, #tpu.memory_space<vmem_shared>> -> memref<10240xf32, #tpu.memory_space<vmem_shared>>
      tpu.enqueue_indirect_dma source(%arg5 : memref<400xf32, #tpu.memory_space<vmem>>) target(%dma_start3A_199 : memref<10240xf32, #tpu.memory_space<vmem_shared>>) offsets(%arg4 : memref<400xi32, #tpu.memory_space<vmem>>) semaphore(%run_scoped3A : memref<!tpu.dma_semaphore, #tpu.memory_space<semaphore_mem>>) {add = true}
      %dma_wait3A = arith.constant 0 : i32
      %dma_wait3A_200 = tpu.memref_slice %arg8[%dma_wait3A] : memref<10240xf32, #tpu.memory_space<vmem_shared>> -> memref<10240xf32, #tpu.memory_space<vmem_shared>>
      tpu.wait_indirect_dma semaphore(%run_scoped3A : memref<!tpu.dma_semaphore, #tpu.memory_space<semaphore_mem>>) src(%arg5 : memref<400xf32, #tpu.memory_space<vmem>>) dst(%dma_wait3A_200 : memref<10240xf32, #tpu.memory_space<vmem_shared>>)
      tpu.yield
    }) : () -> ()
    %mul3A_23 = arith.constant 160000 : i32
    %mul3A_24 = arith.muli %arg0, %mul3A_23 : i32
    %mul3A_25 = arith.constant 10000 : i32
    %mul3A_26 = arith.muli %arg1, %mul3A_25 : i32
    %add3A_27 = arith.addi %mul3A_24, %mul3A_26 : i32
    %add3A_28 = arith.constant 400 : i32
    %add3A_29 = arith.addi %add3A_27, %add3A_28 : i32
    "tpu.region"() ({
      %run_scoped3A = tpu.sem_alloc : memref<!tpu.dma_semaphore, #tpu.memory_space<semaphore_mem>>
      %dma_start3A = tpu.memref_slice %arg2[%add3A_29] : memref<320000xi32, #tpu.memory_space<hbm>> -> memref<400xi32, #tpu.memory_space<hbm>>
      %dma_start3A_199 = tpu.memref_slice %arg2[%add3A_29] : memref<320000xi32, #tpu.memory_space<hbm>> -> memref<400xi32, #tpu.memory_space<hbm>>
      tpu.enqueue_dma source(%dma_start3A_199 : memref<400xi32, #tpu.memory_space<hbm>>) target(%arg4 : memref<400xi32, #tpu.memory_space<vmem>>) target_semaphore(%run_scoped3A : memref<!tpu.dma_semaphore, #tpu.memory_space<semaphore_mem>>)
      %dma_wait3A = tpu.memref_slice %arg2[%add3A_29] : memref<320000xi32, #tpu.memory_space<hbm>> -> memref<400xi32, #tpu.memory_space<hbm>>
      %dma_wait3A_200 = tpu.memref_slice %arg2[%add3A_29] : memref<320000xi32, #tpu.memory_space<hbm>> -> memref<400xi32, #tpu.memory_space<hbm>>
      tpu.wait_dma2 semaphore(%run_scoped3A : memref<!tpu.dma_semaphore, #tpu.memory_space<semaphore_mem>>) src(%dma_wait3A_200 : memref<400xi32, #tpu.memory_space<hbm>>) dst(%arg4 : memref<400xi32, #tpu.memory_space<vmem>>)
      tpu.yield
    }) : () -> ()
    "tpu.region"() ({
      %run_scoped3A = tpu.sem_alloc : memref<!tpu.dma_semaphore, #tpu.memory_space<semaphore_mem>>
      %dma_start3A = arith.constant 0 : i32
      %dma_start3A_199 = tpu.memref_slice %arg8[%dma_start3A] : memref<10240xf32, #tpu.memory_space<vmem_shared>> -> memref<10240xf32, #tpu.memory_space<vmem_shared>>
      tpu.enqueue_indirect_dma source(%arg5 : memref<400xf32, #tpu.memory_space<vmem>>) target(%dma_start3A_199 : memref<10240xf32, #tpu.memory_space<vmem_shared>>) offsets(%arg4 : memref<400xi32, #tpu.memory_space<vmem>>) semaphore(%run_scoped3A : memref<!tpu.dma_semaphore, #tpu.memory_space<semaphore_mem>>) {add = true}
      %dma_wait3A = arith.constant 0 : i32
      %dma_wait3A_200 = tpu.memref_slice %arg8[%dma_wait3A] : memref<10240xf32, #tpu.memory_space<vmem_shared>> -> memref<10240xf32, #tpu.memory_space<vmem_shared>>
      tpu.wait_indirect_dma semaphore(%run_scoped3A : memref<!tpu.dma_semaphore, #tpu.memory_space<semaphore_mem>>) src(%arg5 : memref<400xf32, #tpu.memory_space<vmem>>) dst(%dma_wait3A_200 : memref<10240xf32, #tpu.memory_space<vmem_shared>>)
      tpu.yield
    }) : () -> ()
    %mul3A_30 = arith.constant 160000 : i32
    %mul3A_31 = arith.muli %arg0, %mul3A_30 : i32
    %mul3A_32 = arith.constant 10000 : i32
    %mul3A_33 = arith.muli %arg1, %mul3A_32 : i32
    %add3A_34 = arith.addi %mul3A_31, %mul3A_33 : i32
    %add3A_35 = arith.constant 800 : i32
    %add3A_36 = arith.addi %add3A_34, %add3A_35 : i32
    "tpu.region"() ({
      %run_scoped3A = tpu.sem_alloc : memref<!tpu.dma_semaphore, #tpu.memory_space<semaphore_mem>>
      %dma_start3A = tpu.memref_slice %arg2[%add3A_36] : memref<320000xi32, #tpu.memory_space<hbm>> -> memref<400xi32, #tpu.memory_space<hbm>>
      %dma_start3A_199 = tpu.memref_slice %arg2[%add3A_36] : memref<320000xi32, #tpu.memory_space<hbm>> -> memref<400xi32, #tpu.memory_space<hbm>>
      tpu.enqueue_dma source(%dma_start3A_199 : memref<400xi32, #tpu.memory_space<hbm>>) target(%arg4 : memref<400xi32, #tpu.memory_space<vmem>>) target_semaphore(%run_scoped3A : memref<!tpu.dma_semaphore, #tpu.memory_space<semaphore_mem>>)
      %dma_wait3A = tpu.memref_slice %arg2[%add3A_36] : memref<320000xi32, #tpu.memory_space<hbm>> -> memref<400xi32, #tpu.memory_space<hbm>>
      %dma_wait3A_200 = tpu.memref_slice %arg2[%add3A_36] : memref<320000xi32, #tpu.memory_space<hbm>> -> memref<400xi32, #tpu.memory_space<hbm>>
      tpu.wait_dma2 semaphore(%run_scoped3A : memref<!tpu.dma_semaphore, #tpu.memory_space<semaphore_mem>>) src(%dma_wait3A_200 : memref<400xi32, #tpu.memory_space<hbm>>) dst(%arg4 : memref<400xi32, #tpu.memory_space<vmem>>)
      tpu.yield
    }) : () -> ()
    "tpu.region"() ({
      %run_scoped3A = tpu.sem_alloc : memref<!tpu.dma_semaphore, #tpu.memory_space<semaphore_mem>>
      %dma_start3A = arith.constant 0 : i32
      %dma_start3A_199 = tpu.memref_slice %arg8[%dma_start3A] : memref<10240xf32, #tpu.memory_space<vmem_shared>> -> memref<10240xf32, #tpu.memory_space<vmem_shared>>
      tpu.enqueue_indirect_dma source(%arg5 : memref<400xf32, #tpu.memory_space<vmem>>) target(%dma_start3A_199 : memref<10240xf32, #tpu.memory_space<vmem_shared>>) offsets(%arg4 : memref<400xi32, #tpu.memory_space<vmem>>) semaphore(%run_scoped3A : memref<!tpu.dma_semaphore, #tpu.memory_space<semaphore_mem>>) {add = true}
      %dma_wait3A = arith.constant 0 : i32
      %dma_wait3A_200 = tpu.memref_slice %arg8[%dma_wait3A] : memref<10240xf32, #tpu.memory_space<vmem_shared>> -> memref<10240xf32, #tpu.memory_space<vmem_shared>>
      tpu.wait_indirect_dma semaphore(%run_scoped3A : memref<!tpu.dma_semaphore, #tpu.memory_space<semaphore_mem>>) src(%arg5 : memref<400xf32, #tpu.memory_space<vmem>>) dst(%dma_wait3A_200 : memref<10240xf32, #tpu.memory_space<vmem_shared>>)
      tpu.yield
    }) : () -> ()
    %mul3A_37 = arith.constant 160000 : i32
    %mul3A_38 = arith.muli %arg0, %mul3A_37 : i32
    %mul3A_39 = arith.constant 10000 : i32
    %mul3A_40 = arith.muli %arg1, %mul3A_39 : i32
    %add3A_41 = arith.addi %mul3A_38, %mul3A_40 : i32
    %add3A_42 = arith.constant 1200 : i32
    %add3A_43 = arith.addi %add3A_41, %add3A_42 : i32
    "tpu.region"() ({
      %run_scoped3A = tpu.sem_alloc : memref<!tpu.dma_semaphore, #tpu.memory_space<semaphore_mem>>
      %dma_start3A = tpu.memref_slice %arg2[%add3A_43] : memref<320000xi32, #tpu.memory_space<hbm>> -> memref<400xi32, #tpu.memory_space<hbm>>
      %dma_start3A_199 = tpu.memref_slice %arg2[%add3A_43] : memref<320000xi32, #tpu.memory_space<hbm>> -> memref<400xi32, #tpu.memory_space<hbm>>
      tpu.enqueue_dma source(%dma_start3A_199 : memref<400xi32, #tpu.memory_space<hbm>>) target(%arg4 : memref<400xi32, #tpu.memory_space<vmem>>) target_semaphore(%run_scoped3A : memref<!tpu.dma_semaphore, #tpu.memory_space<semaphore_mem>>)
      %dma_wait3A = tpu.memref_slice %arg2[%add3A_43] : memref<320000xi32, #tpu.memory_space<hbm>> -> memref<400xi32, #tpu.memory_space<hbm>>
      %dma_wait3A_200 = tpu.memref_slice %arg2[%add3A_43] : memref<320000xi32, #tpu.memory_space<hbm>> -> memref<400xi32, #tpu.memory_space<hbm>>
      tpu.wait_dma2 semaphore(%run_scoped3A : memref<!tpu.dma_semaphore, #tpu.memory_space<semaphore_mem>>) src(%dma_wait3A_200 : memref<400xi32, #tpu.memory_space<hbm>>) dst(%arg4 : memref<400xi32, #tpu.memory_space<vmem>>)
      tpu.yield
    }) : () -> ()
    "tpu.region"() ({
      %run_scoped3A = tpu.sem_alloc : memref<!tpu.dma_semaphore, #tpu.memory_space<semaphore_mem>>
      %dma_start3A = arith.constant 0 : i32
      %dma_start3A_199 = tpu.memref_slice %arg8[%dma_start3A] : memref<10240xf32, #tpu.memory_space<vmem_shared>> -> memref<10240xf32, #tpu.memory_space<vmem_shared>>
      tpu.enqueue_indirect_dma source(%arg5 : memref<400xf32, #tpu.memory_space<vmem>>) target(%dma_start3A_199 : memref<10240xf32, #tpu.memory_space<vmem_shared>>) offsets(%arg4 : memref<400xi32, #tpu.memory_space<vmem>>) semaphore(%run_scoped3A : memref<!tpu.dma_semaphore, #tpu.memory_space<semaphore_mem>>) {add = true}
      %dma_wait3A = arith.constant 0 : i32
      %dma_wait3A_200 = tpu.memref_slice %arg8[%dma_wait3A] : memref<10240xf32, #tpu.memory_space<vmem_shared>> -> memref<10240xf32, #tpu.memory_space<vmem_shared>>
      tpu.wait_indirect_dma semaphore(%run_scoped3A : memref<!tpu.dma_semaphore, #tpu.memory_space<semaphore_mem>>) src(%arg5 : memref<400xf32, #tpu.memory_space<vmem>>) dst(%dma_wait3A_200 : memref<10240xf32, #tpu.memory_space<vmem_shared>>)
      tpu.yield
    }) : () -> ()
    %mul3A_44 = arith.constant 160000 : i32
    %mul3A_45 = arith.muli %arg0, %mul3A_44 : i32
    %mul3A_46 = arith.constant 10000 : i32
    %mul3A_47 = arith.muli %arg1, %mul3A_46 : i32
    %add3A_48 = arith.addi %mul3A_45, %mul3A_47 : i32
    %add3A_49 = arith.constant 1600 : i32
    %add3A_50 = arith.addi %add3A_48, %add3A_49 : i32
    "tpu.region"() ({
      %run_scoped3A = tpu.sem_alloc : memref<!tpu.dma_semaphore, #tpu.memory_space<semaphore_mem>>
      %dma_start3A = tpu.memref_slice %arg2[%add3A_50] : memref<320000xi32, #tpu.memory_space<hbm>> -> memref<400xi32, #tpu.memory_space<hbm>>
      %dma_start3A_199 = tpu.memref_slice %arg2[%add3A_50] : memref<320000xi32, #tpu.memory_space<hbm>> -> memref<400xi32, #tpu.memory_space<hbm>>
      tpu.enqueue_dma source(%dma_start3A_199 : memref<400xi32, #tpu.memory_space<hbm>>) target(%arg4 : memref<400xi32, #tpu.memory_space<vmem>>) target_semaphore(%run_scoped3A : memref<!tpu.dma_semaphore, #tpu.memory_space<semaphore_mem>>)
      %dma_wait3A = tpu.memref_slice %arg2[%add3A_50] : memref<320000xi32, #tpu.memory_space<hbm>> -> memref<400xi32, #tpu.memory_space<hbm>>
      %dma_wait3A_200 = tpu.memref_slice %arg2[%add3A_50] : memref<320000xi32, #tpu.memory_space<hbm>> -> memref<400xi32, #tpu.memory_space<hbm>>
      tpu.wait_dma2 semaphore(%run_scoped3A : memref<!tpu.dma_semaphore, #tpu.memory_space<semaphore_mem>>) src(%dma_wait3A_200 : memref<400xi32, #tpu.memory_space<hbm>>) dst(%arg4 : memref<400xi32, #tpu.memory_space<vmem>>)
      tpu.yield
    }) : () -> ()
    "tpu.region"() ({
      %run_scoped3A = tpu.sem_alloc : memref<!tpu.dma_semaphore, #tpu.memory_space<semaphore_mem>>
      %dma_start3A = arith.constant 0 : i32
      %dma_start3A_199 = tpu.memref_slice %arg8[%dma_start3A] : memref<10240xf32, #tpu.memory_space<vmem_shared>> -> memref<10240xf32, #tpu.memory_space<vmem_shared>>
      tpu.enqueue_indirect_dma source(%arg5 : memref<400xf32, #tpu.memory_space<vmem>>) target(%dma_start3A_199 : memref<10240xf32, #tpu.memory_space<vmem_shared>>) offsets(%arg4 : memref<400xi32, #tpu.memory_space<vmem>>) semaphore(%run_scoped3A : memref<!tpu.dma_semaphore, #tpu.memory_space<semaphore_mem>>) {add = true}
      %dma_wait3A = arith.constant 0 : i32
      %dma_wait3A_200 = tpu.memref_slice %arg8[%dma_wait3A] : memref<10240xf32, #tpu.memory_space<vmem_shared>> -> memref<10240xf32, #tpu.memory_space<vmem_shared>>
      tpu.wait_indirect_dma semaphore(%run_scoped3A : memref<!tpu.dma_semaphore, #tpu.memory_space<semaphore_mem>>) src(%arg5 : memref<400xf32, #tpu.memory_space<vmem>>) dst(%dma_wait3A_200 : memref<10240xf32, #tpu.memory_space<vmem_shared>>)
      tpu.yield
    }) : () -> ()
    %mul3A_51 = arith.constant 160000 : i32
    %mul3A_52 = arith.muli %arg0, %mul3A_51 : i32
    %mul3A_53 = arith.constant 10000 : i32
    %mul3A_54 = arith.muli %arg1, %mul3A_53 : i32
    %add3A_55 = arith.addi %mul3A_52, %mul3A_54 : i32
    %add3A_56 = arith.constant 2000 : i32
    %add3A_57 = arith.addi %add3A_55, %add3A_56 : i32
    "tpu.region"() ({
      %run_scoped3A = tpu.sem_alloc : memref<!tpu.dma_semaphore, #tpu.memory_space<semaphore_mem>>
      %dma_start3A = tpu.memref_slice %arg2[%add3A_57] : memref<320000xi32, #tpu.memory_space<hbm>> -> memref<400xi32, #tpu.memory_space<hbm>>
      %dma_start3A_199 = tpu.memref_slice %arg2[%add3A_57] : memref<320000xi32, #tpu.memory_space<hbm>> -> memref<400xi32, #tpu.memory_space<hbm>>
      tpu.enqueue_dma source(%dma_start3A_199 : memref<400xi32, #tpu.memory_space<hbm>>) target(%arg4 : memref<400xi32, #tpu.memory_space<vmem>>) target_semaphore(%run_scoped3A : memref<!tpu.dma_semaphore, #tpu.memory_space<semaphore_mem>>)
      %dma_wait3A = tpu.memref_slice %arg2[%add3A_57] : memref<320000xi32, #tpu.memory_space<hbm>> -> memref<400xi32, #tpu.memory_space<hbm>>
      %dma_wait3A_200 = tpu.memref_slice %arg2[%add3A_57] : memref<320000xi32, #tpu.memory_space<hbm>> -> memref<400xi32, #tpu.memory_space<hbm>>
      tpu.wait_dma2 semaphore(%run_scoped3A : memref<!tpu.dma_semaphore, #tpu.memory_space<semaphore_mem>>) src(%dma_wait3A_200 : memref<400xi32, #tpu.memory_space<hbm>>) dst(%arg4 : memref<400xi32, #tpu.memory_space<vmem>>)
      tpu.yield
    }) : () -> ()
    "tpu.region"() ({
      %run_scoped3A = tpu.sem_alloc : memref<!tpu.dma_semaphore, #tpu.memory_space<semaphore_mem>>
      %dma_start3A = arith.constant 0 : i32
      %dma_start3A_199 = tpu.memref_slice %arg8[%dma_start3A] : memref<10240xf32, #tpu.memory_space<vmem_shared>> -> memref<10240xf32, #tpu.memory_space<vmem_shared>>
      tpu.enqueue_indirect_dma source(%arg5 : memref<400xf32, #tpu.memory_space<vmem>>) target(%dma_start3A_199 : memref<10240xf32, #tpu.memory_space<vmem_shared>>) offsets(%arg4 : memref<400xi32, #tpu.memory_space<vmem>>) semaphore(%run_scoped3A : memref<!tpu.dma_semaphore, #tpu.memory_space<semaphore_mem>>) {add = true}
      %dma_wait3A = arith.constant 0 : i32
      %dma_wait3A_200 = tpu.memref_slice %arg8[%dma_wait3A] : memref<10240xf32, #tpu.memory_space<vmem_shared>> -> memref<10240xf32, #tpu.memory_space<vmem_shared>>
      tpu.wait_indirect_dma semaphore(%run_scoped3A : memref<!tpu.dma_semaphore, #tpu.memory_space<semaphore_mem>>) src(%arg5 : memref<400xf32, #tpu.memory_space<vmem>>) dst(%dma_wait3A_200 : memref<10240xf32, #tpu.memory_space<vmem_shared>>)
      tpu.yield
    }) : () -> ()
    %mul3A_58 = arith.constant 160000 : i32
    %mul3A_59 = arith.muli %arg0, %mul3A_58 : i32
    %mul3A_60 = arith.constant 10000 : i32
    %mul3A_61 = arith.muli %arg1, %mul3A_60 : i32
    %add3A_62 = arith.addi %mul3A_59, %mul3A_61 : i32
    %add3A_63 = arith.constant 2400 : i32
    %add3A_64 = arith.addi %add3A_62, %add3A_63 : i32
    "tpu.region"() ({
      %run_scoped3A = tpu.sem_alloc : memref<!tpu.dma_semaphore, #tpu.memory_space<semaphore_mem>>
      %dma_start3A = tpu.memref_slice %arg2[%add3A_64] : memref<320000xi32, #tpu.memory_space<hbm>> -> memref<400xi32, #tpu.memory_space<hbm>>
      %dma_start3A_199 = tpu.memref_slice %arg2[%add3A_64] : memref<320000xi32, #tpu.memory_space<hbm>> -> memref<400xi32, #tpu.memory_space<hbm>>
      tpu.enqueue_dma source(%dma_start3A_199 : memref<400xi32, #tpu.memory_space<hbm>>) target(%arg4 : memref<400xi32, #tpu.memory_space<vmem>>) target_semaphore(%run_scoped3A : memref<!tpu.dma_semaphore, #tpu.memory_space<semaphore_mem>>)
      %dma_wait3A = tpu.memref_slice %arg2[%add3A_64] : memref<320000xi32, #tpu.memory_space<hbm>> -> memref<400xi32, #tpu.memory_space<hbm>>
      %dma_wait3A_200 = tpu.memref_slice %arg2[%add3A_64] : memref<320000xi32, #tpu.memory_space<hbm>> -> memref<400xi32, #tpu.memory_space<hbm>>
      tpu.wait_dma2 semaphore(%run_scoped3A : memref<!tpu.dma_semaphore, #tpu.memory_space<semaphore_mem>>) src(%dma_wait3A_200 : memref<400xi32, #tpu.memory_space<hbm>>) dst(%arg4 : memref<400xi32, #tpu.memory_space<vmem>>)
      tpu.yield
    }) : () -> ()
    "tpu.region"() ({
      %run_scoped3A = tpu.sem_alloc : memref<!tpu.dma_semaphore, #tpu.memory_space<semaphore_mem>>
      %dma_start3A = arith.constant 0 : i32
      %dma_start3A_199 = tpu.memref_slice %arg8[%dma_start3A] : memref<10240xf32, #tpu.memory_space<vmem_shared>> -> memref<10240xf32, #tpu.memory_space<vmem_shared>>
      tpu.enqueue_indirect_dma source(%arg5 : memref<400xf32, #tpu.memory_space<vmem>>) target(%dma_start3A_199 : memref<10240xf32, #tpu.memory_space<vmem_shared>>) offsets(%arg4 : memref<400xi32, #tpu.memory_space<vmem>>) semaphore(%run_scoped3A : memref<!tpu.dma_semaphore, #tpu.memory_space<semaphore_mem>>) {add = true}
      %dma_wait3A = arith.constant 0 : i32
      %dma_wait3A_200 = tpu.memref_slice %arg8[%dma_wait3A] : memref<10240xf32, #tpu.memory_space<vmem_shared>> -> memref<10240xf32, #tpu.memory_space<vmem_shared>>
      tpu.wait_indirect_dma semaphore(%run_scoped3A : memref<!tpu.dma_semaphore, #tpu.memory_space<semaphore_mem>>) src(%arg5 : memref<400xf32, #tpu.memory_space<vmem>>) dst(%dma_wait3A_200 : memref<10240xf32, #tpu.memory_space<vmem_shared>>)
      tpu.yield
    }) : () -> ()
    %mul3A_65 = arith.constant 160000 : i32
    %mul3A_66 = arith.muli %arg0, %mul3A_65 : i32
    %mul3A_67 = arith.constant 10000 : i32
    %mul3A_68 = arith.muli %arg1, %mul3A_67 : i32
    %add3A_69 = arith.addi %mul3A_66, %mul3A_68 : i32
    %add3A_70 = arith.constant 2800 : i32
    %add3A_71 = arith.addi %add3A_69, %add3A_70 : i32
    "tpu.region"() ({
      %run_scoped3A = tpu.sem_alloc : memref<!tpu.dma_semaphore, #tpu.memory_space<semaphore_mem>>
      %dma_start3A = tpu.memref_slice %arg2[%add3A_71] : memref<320000xi32, #tpu.memory_space<hbm>> -> memref<400xi32, #tpu.memory_space<hbm>>
      %dma_start3A_199 = tpu.memref_slice %arg2[%add3A_71] : memref<320000xi32, #tpu.memory_space<hbm>> -> memref<400xi32, #tpu.memory_space<hbm>>
      tpu.enqueue_dma source(%dma_start3A_199 : memref<400xi32, #tpu.memory_space<hbm>>) target(%arg4 : memref<400xi32, #tpu.memory_space<vmem>>) target_semaphore(%run_scoped3A : memref<!tpu.dma_semaphore, #tpu.memory_space<semaphore_mem>>)
      %dma_wait3A = tpu.memref_slice %arg2[%add3A_71] : memref<320000xi32, #tpu.memory_space<hbm>> -> memref<400xi32, #tpu.memory_space<hbm>>
      %dma_wait3A_200 = tpu.memref_slice %arg2[%add3A_71] : memref<320000xi32, #tpu.memory_space<hbm>> -> memref<400xi32, #tpu.memory_space<hbm>>
      tpu.wait_dma2 semaphore(%run_scoped3A : memref<!tpu.dma_semaphore, #tpu.memory_space<semaphore_mem>>) src(%dma_wait3A_200 : memref<400xi32, #tpu.memory_space<hbm>>) dst(%arg4 : memref<400xi32, #tpu.memory_space<vmem>>)
      tpu.yield
    }) : () -> ()
    "tpu.region"() ({
      %run_scoped3A = tpu.sem_alloc : memref<!tpu.dma_semaphore, #tpu.memory_space<semaphore_mem>>
      %dma_start3A = arith.constant 0 : i32
      %dma_start3A_199 = tpu.memref_slice %arg8[%dma_start3A] : memref<10240xf32, #tpu.memory_space<vmem_shared>> -> memref<10240xf32, #tpu.memory_space<vmem_shared>>
      tpu.enqueue_indirect_dma source(%arg5 : memref<400xf32, #tpu.memory_space<vmem>>) target(%dma_start3A_199 : memref<10240xf32, #tpu.memory_space<vmem_shared>>) offsets(%arg4 : memref<400xi32, #tpu.memory_space<vmem>>) semaphore(%run_scoped3A : memref<!tpu.dma_semaphore, #tpu.memory_space<semaphore_mem>>) {add = true}
      %dma_wait3A = arith.constant 0 : i32
      %dma_wait3A_200 = tpu.memref_slice %arg8[%dma_wait3A] : memref<10240xf32, #tpu.memory_space<vmem_shared>> -> memref<10240xf32, #tpu.memory_space<vmem_shared>>
      tpu.wait_indirect_dma semaphore(%run_scoped3A : memref<!tpu.dma_semaphore, #tpu.memory_space<semaphore_mem>>) src(%arg5 : memref<400xf32, #tpu.memory_space<vmem>>) dst(%dma_wait3A_200 : memref<10240xf32, #tpu.memory_space<vmem_shared>>)
      tpu.yield
    }) : () -> ()
    %mul3A_72 = arith.constant 160000 : i32
    %mul3A_73 = arith.muli %arg0, %mul3A_72 : i32
    %mul3A_74 = arith.constant 10000 : i32
    %mul3A_75 = arith.muli %arg1, %mul3A_74 : i32
    %add3A_76 = arith.addi %mul3A_73, %mul3A_75 : i32
    %add3A_77 = arith.constant 3200 : i32
    %add3A_78 = arith.addi %add3A_76, %add3A_77 : i32
    "tpu.region"() ({
      %run_scoped3A = tpu.sem_alloc : memref<!tpu.dma_semaphore, #tpu.memory_space<semaphore_mem>>
      %dma_start3A = tpu.memref_slice %arg2[%add3A_78] : memref<320000xi32, #tpu.memory_space<hbm>> -> memref<400xi32, #tpu.memory_space<hbm>>
      %dma_start3A_199 = tpu.memref_slice %arg2[%add3A_78] : memref<320000xi32, #tpu.memory_space<hbm>> -> memref<400xi32, #tpu.memory_space<hbm>>
      tpu.enqueue_dma source(%dma_start3A_199 : memref<400xi32, #tpu.memory_space<hbm>>) target(%arg4 : memref<400xi32, #tpu.memory_space<vmem>>) target_semaphore(%run_scoped3A : memref<!tpu.dma_semaphore, #tpu.memory_space<semaphore_mem>>)
      %dma_wait3A = tpu.memref_slice %arg2[%add3A_78] : memref<320000xi32, #tpu.memory_space<hbm>> -> memref<400xi32, #tpu.memory_space<hbm>>
      %dma_wait3A_200 = tpu.memref_slice %arg2[%add3A_78] : memref<320000xi32, #tpu.memory_space<hbm>> -> memref<400xi32, #tpu.memory_space<hbm>>
      tpu.wait_dma2 semaphore(%run_scoped3A : memref<!tpu.dma_semaphore, #tpu.memory_space<semaphore_mem>>) src(%dma_wait3A_200 : memref<400xi32, #tpu.memory_space<hbm>>) dst(%arg4 : memref<400xi32, #tpu.memory_space<vmem>>)
      tpu.yield
    }) : () -> ()
    "tpu.region"() ({
      %run_scoped3A = tpu.sem_alloc : memref<!tpu.dma_semaphore, #tpu.memory_space<semaphore_mem>>
      %dma_start3A = arith.constant 0 : i32
      %dma_start3A_199 = tpu.memref_slice %arg8[%dma_start3A] : memref<10240xf32, #tpu.memory_space<vmem_shared>> -> memref<10240xf32, #tpu.memory_space<vmem_shared>>
      tpu.enqueue_indirect_dma source(%arg5 : memref<400xf32, #tpu.memory_space<vmem>>) target(%dma_start3A_199 : memref<10240xf32, #tpu.memory_space<vmem_shared>>) offsets(%arg4 : memref<400xi32, #tpu.memory_space<vmem>>) semaphore(%run_scoped3A : memref<!tpu.dma_semaphore, #tpu.memory_space<semaphore_mem>>) {add = true}
      %dma_wait3A = arith.constant 0 : i32
      %dma_wait3A_200 = tpu.memref_slice %arg8[%dma_wait3A] : memref<10240xf32, #tpu.memory_space<vmem_shared>> -> memref<10240xf32, #tpu.memory_space<vmem_shared>>
      tpu.wait_indirect_dma semaphore(%run_scoped3A : memref<!tpu.dma_semaphore, #tpu.memory_space<semaphore_mem>>) src(%arg5 : memref<400xf32, #tpu.memory_space<vmem>>) dst(%dma_wait3A_200 : memref<10240xf32, #tpu.memory_space<vmem_shared>>)
      tpu.yield
    }) : () -> ()
    %mul3A_79 = arith.constant 160000 : i32
    %mul3A_80 = arith.muli %arg0, %mul3A_79 : i32
    %mul3A_81 = arith.constant 10000 : i32
    %mul3A_82 = arith.muli %arg1, %mul3A_81 : i32
    %add3A_83 = arith.addi %mul3A_80, %mul3A_82 : i32
    %add3A_84 = arith.constant 3600 : i32
    %add3A_85 = arith.addi %add3A_83, %add3A_84 : i32
    "tpu.region"() ({
      %run_scoped3A = tpu.sem_alloc : memref<!tpu.dma_semaphore, #tpu.memory_space<semaphore_mem>>
      %dma_start3A = tpu.memref_slice %arg2[%add3A_85] : memref<320000xi32, #tpu.memory_space<hbm>> -> memref<400xi32, #tpu.memory_space<hbm>>
      %dma_start3A_199 = tpu.memref_slice %arg2[%add3A_85] : memref<320000xi32, #tpu.memory_space<hbm>> -> memref<400xi32, #tpu.memory_space<hbm>>
      tpu.enqueue_dma source(%dma_start3A_199 : memref<400xi32, #tpu.memory_space<hbm>>) target(%arg4 : memref<400xi32, #tpu.memory_space<vmem>>) target_semaphore(%run_scoped3A : memref<!tpu.dma_semaphore, #tpu.memory_space<semaphore_mem>>)
      %dma_wait3A = tpu.memref_slice %arg2[%add3A_85] : memref<320000xi32, #tpu.memory_space<hbm>> -> memref<400xi32, #tpu.memory_space<hbm>>
      %dma_wait3A_200 = tpu.memref_slice %arg2[%add3A_85] : memref<320000xi32, #tpu.memory_space<hbm>> -> memref<400xi32, #tpu.memory_space<hbm>>
      tpu.wait_dma2 semaphore(%run_scoped3A : memref<!tpu.dma_semaphore, #tpu.memory_space<semaphore_mem>>) src(%dma_wait3A_200 : memref<400xi32, #tpu.memory_space<hbm>>) dst(%arg4 : memref<400xi32, #tpu.memory_space<vmem>>)
      tpu.yield
    }) : () -> ()
    "tpu.region"() ({
      %run_scoped3A = tpu.sem_alloc : memref<!tpu.dma_semaphore, #tpu.memory_space<semaphore_mem>>
      %dma_start3A = arith.constant 0 : i32
      %dma_start3A_199 = tpu.memref_slice %arg8[%dma_start3A] : memref<10240xf32, #tpu.memory_space<vmem_shared>> -> memref<10240xf32, #tpu.memory_space<vmem_shared>>
      tpu.enqueue_indirect_dma source(%arg5 : memref<400xf32, #tpu.memory_space<vmem>>) target(%dma_start3A_199 : memref<10240xf32, #tpu.memory_space<vmem_shared>>) offsets(%arg4 : memref<400xi32, #tpu.memory_space<vmem>>) semaphore(%run_scoped3A : memref<!tpu.dma_semaphore, #tpu.memory_space<semaphore_mem>>) {add = true}
      %dma_wait3A = arith.constant 0 : i32
      %dma_wait3A_200 = tpu.memref_slice %arg8[%dma_wait3A] : memref<10240xf32, #tpu.memory_space<vmem_shared>> -> memref<10240xf32, #tpu.memory_space<vmem_shared>>
      tpu.wait_indirect_dma semaphore(%run_scoped3A : memref<!tpu.dma_semaphore, #tpu.memory_space<semaphore_mem>>) src(%arg5 : memref<400xf32, #tpu.memory_space<vmem>>) dst(%dma_wait3A_200 : memref<10240xf32, #tpu.memory_space<vmem_shared>>)
      tpu.yield
    }) : () -> ()
    %mul3A_86 = arith.constant 160000 : i32
    %mul3A_87 = arith.muli %arg0, %mul3A_86 : i32
    %mul3A_88 = arith.constant 10000 : i32
    %mul3A_89 = arith.muli %arg1, %mul3A_88 : i32
    %add3A_90 = arith.addi %mul3A_87, %mul3A_89 : i32
    %add3A_91 = arith.constant 4000 : i32
    %add3A_92 = arith.addi %add3A_90, %add3A_91 : i32
    "tpu.region"() ({
      %run_scoped3A = tpu.sem_alloc : memref<!tpu.dma_semaphore, #tpu.memory_space<semaphore_mem>>
      %dma_start3A = tpu.memref_slice %arg2[%add3A_92] : memref<320000xi32, #tpu.memory_space<hbm>> -> memref<400xi32, #tpu.memory_space<hbm>>
      %dma_start3A_199 = tpu.memref_slice %arg2[%add3A_92] : memref<320000xi32, #tpu.memory_space<hbm>> -> memref<400xi32, #tpu.memory_space<hbm>>
      tpu.enqueue_dma source(%dma_start3A_199 : memref<400xi32, #tpu.memory_space<hbm>>) target(%arg4 : memref<400xi32, #tpu.memory_space<vmem>>) target_semaphore(%run_scoped3A : memref<!tpu.dma_semaphore, #tpu.memory_space<semaphore_mem>>)
      %dma_wait3A = tpu.memref_slice %arg2[%add3A_92] : memref<320000xi32, #tpu.memory_space<hbm>> -> memref<400xi32, #tpu.memory_space<hbm>>
      %dma_wait3A_200 = tpu.memref_slice %arg2[%add3A_92] : memref<320000xi32, #tpu.memory_space<hbm>> -> memref<400xi32, #tpu.memory_space<hbm>>
      tpu.wait_dma2 semaphore(%run_scoped3A : memref<!tpu.dma_semaphore, #tpu.memory_space<semaphore_mem>>) src(%dma_wait3A_200 : memref<400xi32, #tpu.memory_space<hbm>>) dst(%arg4 : memref<400xi32, #tpu.memory_space<vmem>>)
      tpu.yield
    }) : () -> ()
    "tpu.region"() ({
      %run_scoped3A = tpu.sem_alloc : memref<!tpu.dma_semaphore, #tpu.memory_space<semaphore_mem>>
      %dma_start3A = arith.constant 0 : i32
      %dma_start3A_199 = tpu.memref_slice %arg8[%dma_start3A] : memref<10240xf32, #tpu.memory_space<vmem_shared>> -> memref<10240xf32, #tpu.memory_space<vmem_shared>>
      tpu.enqueue_indirect_dma source(%arg5 : memref<400xf32, #tpu.memory_space<vmem>>) target(%dma_start3A_199 : memref<10240xf32, #tpu.memory_space<vmem_shared>>) offsets(%arg4 : memref<400xi32, #tpu.memory_space<vmem>>) semaphore(%run_scoped3A : memref<!tpu.dma_semaphore, #tpu.memory_space<semaphore_mem>>) {add = true}
      %dma_wait3A = arith.constant 0 : i32
      %dma_wait3A_200 = tpu.memref_slice %arg8[%dma_wait3A] : memref<10240xf32, #tpu.memory_space<vmem_shared>> -> memref<10240xf32, #tpu.memory_space<vmem_shared>>
      tpu.wait_indirect_dma semaphore(%run_scoped3A : memref<!tpu.dma_semaphore, #tpu.memory_space<semaphore_mem>>) src(%arg5 : memref<400xf32, #tpu.memory_space<vmem>>) dst(%dma_wait3A_200 : memref<10240xf32, #tpu.memory_space<vmem_shared>>)
      tpu.yield
    }) : () -> ()
    %mul3A_93 = arith.constant 160000 : i32
    %mul3A_94 = arith.muli %arg0, %mul3A_93 : i32
    %mul3A_95 = arith.constant 10000 : i32
    %mul3A_96 = arith.muli %arg1, %mul3A_95 : i32
    %add3A_97 = arith.addi %mul3A_94, %mul3A_96 : i32
    %add3A_98 = arith.constant 4400 : i32
    %add3A_99 = arith.addi %add3A_97, %add3A_98 : i32
    "tpu.region"() ({
      %run_scoped3A = tpu.sem_alloc : memref<!tpu.dma_semaphore, #tpu.memory_space<semaphore_mem>>
      %dma_start3A = tpu.memref_slice %arg2[%add3A_99] : memref<320000xi32, #tpu.memory_space<hbm>> -> memref<400xi32, #tpu.memory_space<hbm>>
      %dma_start3A_199 = tpu.memref_slice %arg2[%add3A_99] : memref<320000xi32, #tpu.memory_space<hbm>> -> memref<400xi32, #tpu.memory_space<hbm>>
      tpu.enqueue_dma source(%dma_start3A_199 : memref<400xi32, #tpu.memory_space<hbm>>) target(%arg4 : memref<400xi32, #tpu.memory_space<vmem>>) target_semaphore(%run_scoped3A : memref<!tpu.dma_semaphore, #tpu.memory_space<semaphore_mem>>)
      %dma_wait3A = tpu.memref_slice %arg2[%add3A_99] : memref<320000xi32, #tpu.memory_space<hbm>> -> memref<400xi32, #tpu.memory_space<hbm>>
      %dma_wait3A_200 = tpu.memref_slice %arg2[%add3A_99] : memref<320000xi32, #tpu.memory_space<hbm>> -> memref<400xi32, #tpu.memory_space<hbm>>
      tpu.wait_dma2 semaphore(%run_scoped3A : memref<!tpu.dma_semaphore, #tpu.memory_space<semaphore_mem>>) src(%dma_wait3A_200 : memref<400xi32, #tpu.memory_space<hbm>>) dst(%arg4 : memref<400xi32, #tpu.memory_space<vmem>>)
      tpu.yield
    }) : () -> ()
    "tpu.region"() ({
      %run_scoped3A = tpu.sem_alloc : memref<!tpu.dma_semaphore, #tpu.memory_space<semaphore_mem>>
      %dma_start3A = arith.constant 0 : i32
      %dma_start3A_199 = tpu.memref_slice %arg8[%dma_start3A] : memref<10240xf32, #tpu.memory_space<vmem_shared>> -> memref<10240xf32, #tpu.memory_space<vmem_shared>>
      tpu.enqueue_indirect_dma source(%arg5 : memref<400xf32, #tpu.memory_space<vmem>>) target(%dma_start3A_199 : memref<10240xf32, #tpu.memory_space<vmem_shared>>) offsets(%arg4 : memref<400xi32, #tpu.memory_space<vmem>>) semaphore(%run_scoped3A : memref<!tpu.dma_semaphore, #tpu.memory_space<semaphore_mem>>) {add = true}
      %dma_wait3A = arith.constant 0 : i32
      %dma_wait3A_200 = tpu.memref_slice %arg8[%dma_wait3A] : memref<10240xf32, #tpu.memory_space<vmem_shared>> -> memref<10240xf32, #tpu.memory_space<vmem_shared>>
      tpu.wait_indirect_dma semaphore(%run_scoped3A : memref<!tpu.dma_semaphore, #tpu.memory_space<semaphore_mem>>) src(%arg5 : memref<400xf32, #tpu.memory_space<vmem>>) dst(%dma_wait3A_200 : memref<10240xf32, #tpu.memory_space<vmem_shared>>)
      tpu.yield
    }) : () -> ()
    %mul3A_100 = arith.constant 160000 : i32
    %mul3A_101 = arith.muli %arg0, %mul3A_100 : i32
    %mul3A_102 = arith.constant 10000 : i32
    %mul3A_103 = arith.muli %arg1, %mul3A_102 : i32
    %add3A_104 = arith.addi %mul3A_101, %mul3A_103 : i32
    %add3A_105 = arith.constant 4800 : i32
    %add3A_106 = arith.addi %add3A_104, %add3A_105 : i32
    "tpu.region"() ({
      %run_scoped3A = tpu.sem_alloc : memref<!tpu.dma_semaphore, #tpu.memory_space<semaphore_mem>>
      %dma_start3A = tpu.memref_slice %arg2[%add3A_106] : memref<320000xi32, #tpu.memory_space<hbm>> -> memref<400xi32, #tpu.memory_space<hbm>>
      %dma_start3A_199 = tpu.memref_slice %arg2[%add3A_106] : memref<320000xi32, #tpu.memory_space<hbm>> -> memref<400xi32, #tpu.memory_space<hbm>>
      tpu.enqueue_dma source(%dma_start3A_199 : memref<400xi32, #tpu.memory_space<hbm>>) target(%arg4 : memref<400xi32, #tpu.memory_space<vmem>>) target_semaphore(%run_scoped3A : memref<!tpu.dma_semaphore, #tpu.memory_space<semaphore_mem>>)
      %dma_wait3A = tpu.memref_slice %arg2[%add3A_106] : memref<320000xi32, #tpu.memory_space<hbm>> -> memref<400xi32, #tpu.memory_space<hbm>>
      %dma_wait3A_200 = tpu.memref_slice %arg2[%add3A_106] : memref<320000xi32, #tpu.memory_space<hbm>> -> memref<400xi32, #tpu.memory_space<hbm>>
      tpu.wait_dma2 semaphore(%run_scoped3A : memref<!tpu.dma_semaphore, #tpu.memory_space<semaphore_mem>>) src(%dma_wait3A_200 : memref<400xi32, #tpu.memory_space<hbm>>) dst(%arg4 : memref<400xi32, #tpu.memory_space<vmem>>)
      tpu.yield
    }) : () -> ()
    "tpu.region"() ({
      %run_scoped3A = tpu.sem_alloc : memref<!tpu.dma_semaphore, #tpu.memory_space<semaphore_mem>>
      %dma_start3A = arith.constant 0 : i32
      %dma_start3A_199 = tpu.memref_slice %arg8[%dma_start3A] : memref<10240xf32, #tpu.memory_space<vmem_shared>> -> memref<10240xf32, #tpu.memory_space<vmem_shared>>
      tpu.enqueue_indirect_dma source(%arg5 : memref<400xf32, #tpu.memory_space<vmem>>) target(%dma_start3A_199 : memref<10240xf32, #tpu.memory_space<vmem_shared>>) offsets(%arg4 : memref<400xi32, #tpu.memory_space<vmem>>) semaphore(%run_scoped3A : memref<!tpu.dma_semaphore, #tpu.memory_space<semaphore_mem>>) {add = true}
      %dma_wait3A = arith.constant 0 : i32
      %dma_wait3A_200 = tpu.memref_slice %arg8[%dma_wait3A] : memref<10240xf32, #tpu.memory_space<vmem_shared>> -> memref<10240xf32, #tpu.memory_space<vmem_shared>>
      tpu.wait_indirect_dma semaphore(%run_scoped3A : memref<!tpu.dma_semaphore, #tpu.memory_space<semaphore_mem>>) src(%arg5 : memref<400xf32, #tpu.memory_space<vmem>>) dst(%dma_wait3A_200 : memref<10240xf32, #tpu.memory_space<vmem_shared>>)
      tpu.yield
    }) : () -> ()
    %mul3A_107 = arith.constant 160000 : i32
    %mul3A_108 = arith.muli %arg0, %mul3A_107 : i32
    %mul3A_109 = arith.constant 10000 : i32
    %mul3A_110 = arith.muli %arg1, %mul3A_109 : i32
    %add3A_111 = arith.addi %mul3A_108, %mul3A_110 : i32
    %add3A_112 = arith.constant 5200 : i32
    %add3A_113 = arith.addi %add3A_111, %add3A_112 : i32
    "tpu.region"() ({
      %run_scoped3A = tpu.sem_alloc : memref<!tpu.dma_semaphore, #tpu.memory_space<semaphore_mem>>
      %dma_start3A = tpu.memref_slice %arg2[%add3A_113] : memref<320000xi32, #tpu.memory_space<hbm>> -> memref<400xi32, #tpu.memory_space<hbm>>
      %dma_start3A_199 = tpu.memref_slice %arg2[%add3A_113] : memref<320000xi32, #tpu.memory_space<hbm>> -> memref<400xi32, #tpu.memory_space<hbm>>
      tpu.enqueue_dma source(%dma_start3A_199 : memref<400xi32, #tpu.memory_space<hbm>>) target(%arg4 : memref<400xi32, #tpu.memory_space<vmem>>) target_semaphore(%run_scoped3A : memref<!tpu.dma_semaphore, #tpu.memory_space<semaphore_mem>>)
      %dma_wait3A = tpu.memref_slice %arg2[%add3A_113] : memref<320000xi32, #tpu.memory_space<hbm>> -> memref<400xi32, #tpu.memory_space<hbm>>
      %dma_wait3A_200 = tpu.memref_slice %arg2[%add3A_113] : memref<320000xi32, #tpu.memory_space<hbm>> -> memref<400xi32, #tpu.memory_space<hbm>>
      tpu.wait_dma2 semaphore(%run_scoped3A : memref<!tpu.dma_semaphore, #tpu.memory_space<semaphore_mem>>) src(%dma_wait3A_200 : memref<400xi32, #tpu.memory_space<hbm>>) dst(%arg4 : memref<400xi32, #tpu.memory_space<vmem>>)
      tpu.yield
    }) : () -> ()
    "tpu.region"() ({
      %run_scoped3A = tpu.sem_alloc : memref<!tpu.dma_semaphore, #tpu.memory_space<semaphore_mem>>
      %dma_start3A = arith.constant 0 : i32
      %dma_start3A_199 = tpu.memref_slice %arg8[%dma_start3A] : memref<10240xf32, #tpu.memory_space<vmem_shared>> -> memref<10240xf32, #tpu.memory_space<vmem_shared>>
      tpu.enqueue_indirect_dma source(%arg5 : memref<400xf32, #tpu.memory_space<vmem>>) target(%dma_start3A_199 : memref<10240xf32, #tpu.memory_space<vmem_shared>>) offsets(%arg4 : memref<400xi32, #tpu.memory_space<vmem>>) semaphore(%run_scoped3A : memref<!tpu.dma_semaphore, #tpu.memory_space<semaphore_mem>>) {add = true}
      %dma_wait3A = arith.constant 0 : i32
      %dma_wait3A_200 = tpu.memref_slice %arg8[%dma_wait3A] : memref<10240xf32, #tpu.memory_space<vmem_shared>> -> memref<10240xf32, #tpu.memory_space<vmem_shared>>
      tpu.wait_indirect_dma semaphore(%run_scoped3A : memref<!tpu.dma_semaphore, #tpu.memory_space<semaphore_mem>>) src(%arg5 : memref<400xf32, #tpu.memory_space<vmem>>) dst(%dma_wait3A_200 : memref<10240xf32, #tpu.memory_space<vmem_shared>>)
      tpu.yield
    }) : () -> ()
    %mul3A_114 = arith.constant 160000 : i32
    %mul3A_115 = arith.muli %arg0, %mul3A_114 : i32
    %mul3A_116 = arith.constant 10000 : i32
    %mul3A_117 = arith.muli %arg1, %mul3A_116 : i32
    %add3A_118 = arith.addi %mul3A_115, %mul3A_117 : i32
    %add3A_119 = arith.constant 5600 : i32
    %add3A_120 = arith.addi %add3A_118, %add3A_119 : i32
    "tpu.region"() ({
      %run_scoped3A = tpu.sem_alloc : memref<!tpu.dma_semaphore, #tpu.memory_space<semaphore_mem>>
      %dma_start3A = tpu.memref_slice %arg2[%add3A_120] : memref<320000xi32, #tpu.memory_space<hbm>> -> memref<400xi32, #tpu.memory_space<hbm>>
      %dma_start3A_199 = tpu.memref_slice %arg2[%add3A_120] : memref<320000xi32, #tpu.memory_space<hbm>> -> memref<400xi32, #tpu.memory_space<hbm>>
      tpu.enqueue_dma source(%dma_start3A_199 : memref<400xi32, #tpu.memory_space<hbm>>) target(%arg4 : memref<400xi32, #tpu.memory_space<vmem>>) target_semaphore(%run_scoped3A : memref<!tpu.dma_semaphore, #tpu.memory_space<semaphore_mem>>)
      %dma_wait3A = tpu.memref_slice %arg2[%add3A_120] : memref<320000xi32, #tpu.memory_space<hbm>> -> memref<400xi32, #tpu.memory_space<hbm>>
      %dma_wait3A_200 = tpu.memref_slice %arg2[%add3A_120] : memref<320000xi32, #tpu.memory_space<hbm>> -> memref<400xi32, #tpu.memory_space<hbm>>
      tpu.wait_dma2 semaphore(%run_scoped3A : memref<!tpu.dma_semaphore, #tpu.memory_space<semaphore_mem>>) src(%dma_wait3A_200 : memref<400xi32, #tpu.memory_space<hbm>>) dst(%arg4 : memref<400xi32, #tpu.memory_space<vmem>>)
      tpu.yield
    }) : () -> ()
    "tpu.region"() ({
      %run_scoped3A = tpu.sem_alloc : memref<!tpu.dma_semaphore, #tpu.memory_space<semaphore_mem>>
      %dma_start3A = arith.constant 0 : i32
      %dma_start3A_199 = tpu.memref_slice %arg8[%dma_start3A] : memref<10240xf32, #tpu.memory_space<vmem_shared>> -> memref<10240xf32, #tpu.memory_space<vmem_shared>>
      tpu.enqueue_indirect_dma source(%arg5 : memref<400xf32, #tpu.memory_space<vmem>>) target(%dma_start3A_199 : memref<10240xf32, #tpu.memory_space<vmem_shared>>) offsets(%arg4 : memref<400xi32, #tpu.memory_space<vmem>>) semaphore(%run_scoped3A : memref<!tpu.dma_semaphore, #tpu.memory_space<semaphore_mem>>) {add = true}
      %dma_wait3A = arith.constant 0 : i32
      %dma_wait3A_200 = tpu.memref_slice %arg8[%dma_wait3A] : memref<10240xf32, #tpu.memory_space<vmem_shared>> -> memref<10240xf32, #tpu.memory_space<vmem_shared>>
      tpu.wait_indirect_dma semaphore(%run_scoped3A : memref<!tpu.dma_semaphore, #tpu.memory_space<semaphore_mem>>) src(%arg5 : memref<400xf32, #tpu.memory_space<vmem>>) dst(%dma_wait3A_200 : memref<10240xf32, #tpu.memory_space<vmem_shared>>)
      tpu.yield
    }) : () -> ()
    %mul3A_121 = arith.constant 160000 : i32
    %mul3A_122 = arith.muli %arg0, %mul3A_121 : i32
    %mul3A_123 = arith.constant 10000 : i32
    %mul3A_124 = arith.muli %arg1, %mul3A_123 : i32
    %add3A_125 = arith.addi %mul3A_122, %mul3A_124 : i32
    %add3A_126 = arith.constant 6000 : i32
    %add3A_127 = arith.addi %add3A_125, %add3A_126 : i32
    "tpu.region"() ({
      %run_scoped3A = tpu.sem_alloc : memref<!tpu.dma_semaphore, #tpu.memory_space<semaphore_mem>>
      %dma_start3A = tpu.memref_slice %arg2[%add3A_127] : memref<320000xi32, #tpu.memory_space<hbm>> -> memref<400xi32, #tpu.memory_space<hbm>>
      %dma_start3A_199 = tpu.memref_slice %arg2[%add3A_127] : memref<320000xi32, #tpu.memory_space<hbm>> -> memref<400xi32, #tpu.memory_space<hbm>>
      tpu.enqueue_dma source(%dma_start3A_199 : memref<400xi32, #tpu.memory_space<hbm>>) target(%arg4 : memref<400xi32, #tpu.memory_space<vmem>>) target_semaphore(%run_scoped3A : memref<!tpu.dma_semaphore, #tpu.memory_space<semaphore_mem>>)
      %dma_wait3A = tpu.memref_slice %arg2[%add3A_127] : memref<320000xi32, #tpu.memory_space<hbm>> -> memref<400xi32, #tpu.memory_space<hbm>>
      %dma_wait3A_200 = tpu.memref_slice %arg2[%add3A_127] : memref<320000xi32, #tpu.memory_space<hbm>> -> memref<400xi32, #tpu.memory_space<hbm>>
      tpu.wait_dma2 semaphore(%run_scoped3A : memref<!tpu.dma_semaphore, #tpu.memory_space<semaphore_mem>>) src(%dma_wait3A_200 : memref<400xi32, #tpu.memory_space<hbm>>) dst(%arg4 : memref<400xi32, #tpu.memory_space<vmem>>)
      tpu.yield
    }) : () -> ()
    "tpu.region"() ({
      %run_scoped3A = tpu.sem_alloc : memref<!tpu.dma_semaphore, #tpu.memory_space<semaphore_mem>>
      %dma_start3A = arith.constant 0 : i32
      %dma_start3A_199 = tpu.memref_slice %arg8[%dma_start3A] : memref<10240xf32, #tpu.memory_space<vmem_shared>> -> memref<10240xf32, #tpu.memory_space<vmem_shared>>
      tpu.enqueue_indirect_dma source(%arg5 : memref<400xf32, #tpu.memory_space<vmem>>) target(%dma_start3A_199 : memref<10240xf32, #tpu.memory_space<vmem_shared>>) offsets(%arg4 : memref<400xi32, #tpu.memory_space<vmem>>) semaphore(%run_scoped3A : memref<!tpu.dma_semaphore, #tpu.memory_space<semaphore_mem>>) {add = true}
      %dma_wait3A = arith.constant 0 : i32
      %dma_wait3A_200 = tpu.memref_slice %arg8[%dma_wait3A] : memref<10240xf32, #tpu.memory_space<vmem_shared>> -> memref<10240xf32, #tpu.memory_space<vmem_shared>>
      tpu.wait_indirect_dma semaphore(%run_scoped3A : memref<!tpu.dma_semaphore, #tpu.memory_space<semaphore_mem>>) src(%arg5 : memref<400xf32, #tpu.memory_space<vmem>>) dst(%dma_wait3A_200 : memref<10240xf32, #tpu.memory_space<vmem_shared>>)
      tpu.yield
    }) : () -> ()
    %mul3A_128 = arith.constant 160000 : i32
    %mul3A_129 = arith.muli %arg0, %mul3A_128 : i32
    %mul3A_130 = arith.constant 10000 : i32
    %mul3A_131 = arith.muli %arg1, %mul3A_130 : i32
    %add3A_132 = arith.addi %mul3A_129, %mul3A_131 : i32
    %add3A_133 = arith.constant 6400 : i32
    %add3A_134 = arith.addi %add3A_132, %add3A_133 : i32
    "tpu.region"() ({
      %run_scoped3A = tpu.sem_alloc : memref<!tpu.dma_semaphore, #tpu.memory_space<semaphore_mem>>
      %dma_start3A = tpu.memref_slice %arg2[%add3A_134] : memref<320000xi32, #tpu.memory_space<hbm>> -> memref<400xi32, #tpu.memory_space<hbm>>
      %dma_start3A_199 = tpu.memref_slice %arg2[%add3A_134] : memref<320000xi32, #tpu.memory_space<hbm>> -> memref<400xi32, #tpu.memory_space<hbm>>
      tpu.enqueue_dma source(%dma_start3A_199 : memref<400xi32, #tpu.memory_space<hbm>>) target(%arg4 : memref<400xi32, #tpu.memory_space<vmem>>) target_semaphore(%run_scoped3A : memref<!tpu.dma_semaphore, #tpu.memory_space<semaphore_mem>>)
      %dma_wait3A = tpu.memref_slice %arg2[%add3A_134] : memref<320000xi32, #tpu.memory_space<hbm>> -> memref<400xi32, #tpu.memory_space<hbm>>
      %dma_wait3A_200 = tpu.memref_slice %arg2[%add3A_134] : memref<320000xi32, #tpu.memory_space<hbm>> -> memref<400xi32, #tpu.memory_space<hbm>>
      tpu.wait_dma2 semaphore(%run_scoped3A : memref<!tpu.dma_semaphore, #tpu.memory_space<semaphore_mem>>) src(%dma_wait3A_200 : memref<400xi32, #tpu.memory_space<hbm>>) dst(%arg4 : memref<400xi32, #tpu.memory_space<vmem>>)
      tpu.yield
    }) : () -> ()
    "tpu.region"() ({
      %run_scoped3A = tpu.sem_alloc : memref<!tpu.dma_semaphore, #tpu.memory_space<semaphore_mem>>
      %dma_start3A = arith.constant 0 : i32
      %dma_start3A_199 = tpu.memref_slice %arg8[%dma_start3A] : memref<10240xf32, #tpu.memory_space<vmem_shared>> -> memref<10240xf32, #tpu.memory_space<vmem_shared>>
      tpu.enqueue_indirect_dma source(%arg5 : memref<400xf32, #tpu.memory_space<vmem>>) target(%dma_start3A_199 : memref<10240xf32, #tpu.memory_space<vmem_shared>>) offsets(%arg4 : memref<400xi32, #tpu.memory_space<vmem>>) semaphore(%run_scoped3A : memref<!tpu.dma_semaphore, #tpu.memory_space<semaphore_mem>>) {add = true}
      %dma_wait3A = arith.constant 0 : i32
      %dma_wait3A_200 = tpu.memref_slice %arg8[%dma_wait3A] : memref<10240xf32, #tpu.memory_space<vmem_shared>> -> memref<10240xf32, #tpu.memory_space<vmem_shared>>
      tpu.wait_indirect_dma semaphore(%run_scoped3A : memref<!tpu.dma_semaphore, #tpu.memory_space<semaphore_mem>>) src(%arg5 : memref<400xf32, #tpu.memory_space<vmem>>) dst(%dma_wait3A_200 : memref<10240xf32, #tpu.memory_space<vmem_shared>>)
      tpu.yield
    }) : () -> ()
    %mul3A_135 = arith.constant 160000 : i32
    %mul3A_136 = arith.muli %arg0, %mul3A_135 : i32
    %mul3A_137 = arith.constant 10000 : i32
    %mul3A_138 = arith.muli %arg1, %mul3A_137 : i32
    %add3A_139 = arith.addi %mul3A_136, %mul3A_138 : i32
    %add3A_140 = arith.constant 6800 : i32
    %add3A_141 = arith.addi %add3A_139, %add3A_140 : i32
    "tpu.region"() ({
      %run_scoped3A = tpu.sem_alloc : memref<!tpu.dma_semaphore, #tpu.memory_space<semaphore_mem>>
      %dma_start3A = tpu.memref_slice %arg2[%add3A_141] : memref<320000xi32, #tpu.memory_space<hbm>> -> memref<400xi32, #tpu.memory_space<hbm>>
      %dma_start3A_199 = tpu.memref_slice %arg2[%add3A_141] : memref<320000xi32, #tpu.memory_space<hbm>> -> memref<400xi32, #tpu.memory_space<hbm>>
      tpu.enqueue_dma source(%dma_start3A_199 : memref<400xi32, #tpu.memory_space<hbm>>) target(%arg4 : memref<400xi32, #tpu.memory_space<vmem>>) target_semaphore(%run_scoped3A : memref<!tpu.dma_semaphore, #tpu.memory_space<semaphore_mem>>)
      %dma_wait3A = tpu.memref_slice %arg2[%add3A_141] : memref<320000xi32, #tpu.memory_space<hbm>> -> memref<400xi32, #tpu.memory_space<hbm>>
      %dma_wait3A_200 = tpu.memref_slice %arg2[%add3A_141] : memref<320000xi32, #tpu.memory_space<hbm>> -> memref<400xi32, #tpu.memory_space<hbm>>
      tpu.wait_dma2 semaphore(%run_scoped3A : memref<!tpu.dma_semaphore, #tpu.memory_space<semaphore_mem>>) src(%dma_wait3A_200 : memref<400xi32, #tpu.memory_space<hbm>>) dst(%arg4 : memref<400xi32, #tpu.memory_space<vmem>>)
      tpu.yield
    }) : () -> ()
    "tpu.region"() ({
      %run_scoped3A = tpu.sem_alloc : memref<!tpu.dma_semaphore, #tpu.memory_space<semaphore_mem>>
      %dma_start3A = arith.constant 0 : i32
      %dma_start3A_199 = tpu.memref_slice %arg8[%dma_start3A] : memref<10240xf32, #tpu.memory_space<vmem_shared>> -> memref<10240xf32, #tpu.memory_space<vmem_shared>>
      tpu.enqueue_indirect_dma source(%arg5 : memref<400xf32, #tpu.memory_space<vmem>>) target(%dma_start3A_199 : memref<10240xf32, #tpu.memory_space<vmem_shared>>) offsets(%arg4 : memref<400xi32, #tpu.memory_space<vmem>>) semaphore(%run_scoped3A : memref<!tpu.dma_semaphore, #tpu.memory_space<semaphore_mem>>) {add = true}
      %dma_wait3A = arith.constant 0 : i32
      %dma_wait3A_200 = tpu.memref_slice %arg8[%dma_wait3A] : memref<10240xf32, #tpu.memory_space<vmem_shared>> -> memref<10240xf32, #tpu.memory_space<vmem_shared>>
      tpu.wait_indirect_dma semaphore(%run_scoped3A : memref<!tpu.dma_semaphore, #tpu.memory_space<semaphore_mem>>) src(%arg5 : memref<400xf32, #tpu.memory_space<vmem>>) dst(%dma_wait3A_200 : memref<10240xf32, #tpu.memory_space<vmem_shared>>)
      tpu.yield
    }) : () -> ()
    %mul3A_142 = arith.constant 160000 : i32
    %mul3A_143 = arith.muli %arg0, %mul3A_142 : i32
    %mul3A_144 = arith.constant 10000 : i32
    %mul3A_145 = arith.muli %arg1, %mul3A_144 : i32
    %add3A_146 = arith.addi %mul3A_143, %mul3A_145 : i32
    %add3A_147 = arith.constant 7200 : i32
    %add3A_148 = arith.addi %add3A_146, %add3A_147 : i32
    "tpu.region"() ({
      %run_scoped3A = tpu.sem_alloc : memref<!tpu.dma_semaphore, #tpu.memory_space<semaphore_mem>>
      %dma_start3A = tpu.memref_slice %arg2[%add3A_148] : memref<320000xi32, #tpu.memory_space<hbm>> -> memref<400xi32, #tpu.memory_space<hbm>>
      %dma_start3A_199 = tpu.memref_slice %arg2[%add3A_148] : memref<320000xi32, #tpu.memory_space<hbm>> -> memref<400xi32, #tpu.memory_space<hbm>>
      tpu.enqueue_dma source(%dma_start3A_199 : memref<400xi32, #tpu.memory_space<hbm>>) target(%arg4 : memref<400xi32, #tpu.memory_space<vmem>>) target_semaphore(%run_scoped3A : memref<!tpu.dma_semaphore, #tpu.memory_space<semaphore_mem>>)
      %dma_wait3A = tpu.memref_slice %arg2[%add3A_148] : memref<320000xi32, #tpu.memory_space<hbm>> -> memref<400xi32, #tpu.memory_space<hbm>>
      %dma_wait3A_200 = tpu.memref_slice %arg2[%add3A_148] : memref<320000xi32, #tpu.memory_space<hbm>> -> memref<400xi32, #tpu.memory_space<hbm>>
      tpu.wait_dma2 semaphore(%run_scoped3A : memref<!tpu.dma_semaphore, #tpu.memory_space<semaphore_mem>>) src(%dma_wait3A_200 : memref<400xi32, #tpu.memory_space<hbm>>) dst(%arg4 : memref<400xi32, #tpu.memory_space<vmem>>)
      tpu.yield
    }) : () -> ()
    "tpu.region"() ({
      %run_scoped3A = tpu.sem_alloc : memref<!tpu.dma_semaphore, #tpu.memory_space<semaphore_mem>>
      %dma_start3A = arith.constant 0 : i32
      %dma_start3A_199 = tpu.memref_slice %arg8[%dma_start3A] : memref<10240xf32, #tpu.memory_space<vmem_shared>> -> memref<10240xf32, #tpu.memory_space<vmem_shared>>
      tpu.enqueue_indirect_dma source(%arg5 : memref<400xf32, #tpu.memory_space<vmem>>) target(%dma_start3A_199 : memref<10240xf32, #tpu.memory_space<vmem_shared>>) offsets(%arg4 : memref<400xi32, #tpu.memory_space<vmem>>) semaphore(%run_scoped3A : memref<!tpu.dma_semaphore, #tpu.memory_space<semaphore_mem>>) {add = true}
      %dma_wait3A = arith.constant 0 : i32
      %dma_wait3A_200 = tpu.memref_slice %arg8[%dma_wait3A] : memref<10240xf32, #tpu.memory_space<vmem_shared>> -> memref<10240xf32, #tpu.memory_space<vmem_shared>>
      tpu.wait_indirect_dma semaphore(%run_scoped3A : memref<!tpu.dma_semaphore, #tpu.memory_space<semaphore_mem>>) src(%arg5 : memref<400xf32, #tpu.memory_space<vmem>>) dst(%dma_wait3A_200 : memref<10240xf32, #tpu.memory_space<vmem_shared>>)
      tpu.yield
    }) : () -> ()
    %mul3A_149 = arith.constant 160000 : i32
    %mul3A_150 = arith.muli %arg0, %mul3A_149 : i32
    %mul3A_151 = arith.constant 10000 : i32
    %mul3A_152 = arith.muli %arg1, %mul3A_151 : i32
    %add3A_153 = arith.addi %mul3A_150, %mul3A_152 : i32
    %add3A_154 = arith.constant 7600 : i32
    %add3A_155 = arith.addi %add3A_153, %add3A_154 : i32
    "tpu.region"() ({
      %run_scoped3A = tpu.sem_alloc : memref<!tpu.dma_semaphore, #tpu.memory_space<semaphore_mem>>
      %dma_start3A = tpu.memref_slice %arg2[%add3A_155] : memref<320000xi32, #tpu.memory_space<hbm>> -> memref<400xi32, #tpu.memory_space<hbm>>
      %dma_start3A_199 = tpu.memref_slice %arg2[%add3A_155] : memref<320000xi32, #tpu.memory_space<hbm>> -> memref<400xi32, #tpu.memory_space<hbm>>
      tpu.enqueue_dma source(%dma_start3A_199 : memref<400xi32, #tpu.memory_space<hbm>>) target(%arg4 : memref<400xi32, #tpu.memory_space<vmem>>) target_semaphore(%run_scoped3A : memref<!tpu.dma_semaphore, #tpu.memory_space<semaphore_mem>>)
      %dma_wait3A = tpu.memref_slice %arg2[%add3A_155] : memref<320000xi32, #tpu.memory_space<hbm>> -> memref<400xi32, #tpu.memory_space<hbm>>
      %dma_wait3A_200 = tpu.memref_slice %arg2[%add3A_155] : memref<320000xi32, #tpu.memory_space<hbm>> -> memref<400xi32, #tpu.memory_space<hbm>>
      tpu.wait_dma2 semaphore(%run_scoped3A : memref<!tpu.dma_semaphore, #tpu.memory_space<semaphore_mem>>) src(%dma_wait3A_200 : memref<400xi32, #tpu.memory_space<hbm>>) dst(%arg4 : memref<400xi32, #tpu.memory_space<vmem>>)
      tpu.yield
    }) : () -> ()
    "tpu.region"() ({
      %run_scoped3A = tpu.sem_alloc : memref<!tpu.dma_semaphore, #tpu.memory_space<semaphore_mem>>
      %dma_start3A = arith.constant 0 : i32
      %dma_start3A_199 = tpu.memref_slice %arg8[%dma_start3A] : memref<10240xf32, #tpu.memory_space<vmem_shared>> -> memref<10240xf32, #tpu.memory_space<vmem_shared>>
      tpu.enqueue_indirect_dma source(%arg5 : memref<400xf32, #tpu.memory_space<vmem>>) target(%dma_start3A_199 : memref<10240xf32, #tpu.memory_space<vmem_shared>>) offsets(%arg4 : memref<400xi32, #tpu.memory_space<vmem>>) semaphore(%run_scoped3A : memref<!tpu.dma_semaphore, #tpu.memory_space<semaphore_mem>>) {add = true}
      %dma_wait3A = arith.constant 0 : i32
      %dma_wait3A_200 = tpu.memref_slice %arg8[%dma_wait3A] : memref<10240xf32, #tpu.memory_space<vmem_shared>> -> memref<10240xf32, #tpu.memory_space<vmem_shared>>
      tpu.wait_indirect_dma semaphore(%run_scoped3A : memref<!tpu.dma_semaphore, #tpu.memory_space<semaphore_mem>>) src(%arg5 : memref<400xf32, #tpu.memory_space<vmem>>) dst(%dma_wait3A_200 : memref<10240xf32, #tpu.memory_space<vmem_shared>>)
      tpu.yield
    }) : () -> ()
    %mul3A_156 = arith.constant 160000 : i32
    %mul3A_157 = arith.muli %arg0, %mul3A_156 : i32
    %mul3A_158 = arith.constant 10000 : i32
    %mul3A_159 = arith.muli %arg1, %mul3A_158 : i32
    %add3A_160 = arith.addi %mul3A_157, %mul3A_159 : i32
    %add3A_161 = arith.constant 8000 : i32
    %add3A_162 = arith.addi %add3A_160, %add3A_161 : i32
    "tpu.region"() ({
      %run_scoped3A = tpu.sem_alloc : memref<!tpu.dma_semaphore, #tpu.memory_space<semaphore_mem>>
      %dma_start3A = tpu.memref_slice %arg2[%add3A_162] : memref<320000xi32, #tpu.memory_space<hbm>> -> memref<400xi32, #tpu.memory_space<hbm>>
      %dma_start3A_199 = tpu.memref_slice %arg2[%add3A_162] : memref<320000xi32, #tpu.memory_space<hbm>> -> memref<400xi32, #tpu.memory_space<hbm>>
      tpu.enqueue_dma source(%dma_start3A_199 : memref<400xi32, #tpu.memory_space<hbm>>) target(%arg4 : memref<400xi32, #tpu.memory_space<vmem>>) target_semaphore(%run_scoped3A : memref<!tpu.dma_semaphore, #tpu.memory_space<semaphore_mem>>)
      %dma_wait3A = tpu.memref_slice %arg2[%add3A_162] : memref<320000xi32, #tpu.memory_space<hbm>> -> memref<400xi32, #tpu.memory_space<hbm>>
      %dma_wait3A_200 = tpu.memref_slice %arg2[%add3A_162] : memref<320000xi32, #tpu.memory_space<hbm>> -> memref<400xi32, #tpu.memory_space<hbm>>
      tpu.wait_dma2 semaphore(%run_scoped3A : memref<!tpu.dma_semaphore, #tpu.memory_space<semaphore_mem>>) src(%dma_wait3A_200 : memref<400xi32, #tpu.memory_space<hbm>>) dst(%arg4 : memref<400xi32, #tpu.memory_space<vmem>>)
      tpu.yield
    }) : () -> ()
    "tpu.region"() ({
      %run_scoped3A = tpu.sem_alloc : memref<!tpu.dma_semaphore, #tpu.memory_space<semaphore_mem>>
      %dma_start3A = arith.constant 0 : i32
      %dma_start3A_199 = tpu.memref_slice %arg8[%dma_start3A] : memref<10240xf32, #tpu.memory_space<vmem_shared>> -> memref<10240xf32, #tpu.memory_space<vmem_shared>>
      tpu.enqueue_indirect_dma source(%arg5 : memref<400xf32, #tpu.memory_space<vmem>>) target(%dma_start3A_199 : memref<10240xf32, #tpu.memory_space<vmem_shared>>) offsets(%arg4 : memref<400xi32, #tpu.memory_space<vmem>>) semaphore(%run_scoped3A : memref<!tpu.dma_semaphore, #tpu.memory_space<semaphore_mem>>) {add = true}
      %dma_wait3A = arith.constant 0 : i32
      %dma_wait3A_200 = tpu.memref_slice %arg8[%dma_wait3A] : memref<10240xf32, #tpu.memory_space<vmem_shared>> -> memref<10240xf32, #tpu.memory_space<vmem_shared>>
      tpu.wait_indirect_dma semaphore(%run_scoped3A : memref<!tpu.dma_semaphore, #tpu.memory_space<semaphore_mem>>) src(%arg5 : memref<400xf32, #tpu.memory_space<vmem>>) dst(%dma_wait3A_200 : memref<10240xf32, #tpu.memory_space<vmem_shared>>)
      tpu.yield
    }) : () -> ()
    %mul3A_163 = arith.constant 160000 : i32
    %mul3A_164 = arith.muli %arg0, %mul3A_163 : i32
    %mul3A_165 = arith.constant 10000 : i32
    %mul3A_166 = arith.muli %arg1, %mul3A_165 : i32
    %add3A_167 = arith.addi %mul3A_164, %mul3A_166 : i32
    %add3A_168 = arith.constant 8400 : i32
    %add3A_169 = arith.addi %add3A_167, %add3A_168 : i32
    "tpu.region"() ({
      %run_scoped3A = tpu.sem_alloc : memref<!tpu.dma_semaphore, #tpu.memory_space<semaphore_mem>>
      %dma_start3A = tpu.memref_slice %arg2[%add3A_169] : memref<320000xi32, #tpu.memory_space<hbm>> -> memref<400xi32, #tpu.memory_space<hbm>>
      %dma_start3A_199 = tpu.memref_slice %arg2[%add3A_169] : memref<320000xi32, #tpu.memory_space<hbm>> -> memref<400xi32, #tpu.memory_space<hbm>>
      tpu.enqueue_dma source(%dma_start3A_199 : memref<400xi32, #tpu.memory_space<hbm>>) target(%arg4 : memref<400xi32, #tpu.memory_space<vmem>>) target_semaphore(%run_scoped3A : memref<!tpu.dma_semaphore, #tpu.memory_space<semaphore_mem>>)
      %dma_wait3A = tpu.memref_slice %arg2[%add3A_169] : memref<320000xi32, #tpu.memory_space<hbm>> -> memref<400xi32, #tpu.memory_space<hbm>>
      %dma_wait3A_200 = tpu.memref_slice %arg2[%add3A_169] : memref<320000xi32, #tpu.memory_space<hbm>> -> memref<400xi32, #tpu.memory_space<hbm>>
      tpu.wait_dma2 semaphore(%run_scoped3A : memref<!tpu.dma_semaphore, #tpu.memory_space<semaphore_mem>>) src(%dma_wait3A_200 : memref<400xi32, #tpu.memory_space<hbm>>) dst(%arg4 : memref<400xi32, #tpu.memory_space<vmem>>)
      tpu.yield
    }) : () -> ()
    "tpu.region"() ({
      %run_scoped3A = tpu.sem_alloc : memref<!tpu.dma_semaphore, #tpu.memory_space<semaphore_mem>>
      %dma_start3A = arith.constant 0 : i32
      %dma_start3A_199 = tpu.memref_slice %arg8[%dma_start3A] : memref<10240xf32, #tpu.memory_space<vmem_shared>> -> memref<10240xf32, #tpu.memory_space<vmem_shared>>
      tpu.enqueue_indirect_dma source(%arg5 : memref<400xf32, #tpu.memory_space<vmem>>) target(%dma_start3A_199 : memref<10240xf32, #tpu.memory_space<vmem_shared>>) offsets(%arg4 : memref<400xi32, #tpu.memory_space<vmem>>) semaphore(%run_scoped3A : memref<!tpu.dma_semaphore, #tpu.memory_space<semaphore_mem>>) {add = true}
      %dma_wait3A = arith.constant 0 : i32
      %dma_wait3A_200 = tpu.memref_slice %arg8[%dma_wait3A] : memref<10240xf32, #tpu.memory_space<vmem_shared>> -> memref<10240xf32, #tpu.memory_space<vmem_shared>>
      tpu.wait_indirect_dma semaphore(%run_scoped3A : memref<!tpu.dma_semaphore, #tpu.memory_space<semaphore_mem>>) src(%arg5 : memref<400xf32, #tpu.memory_space<vmem>>) dst(%dma_wait3A_200 : memref<10240xf32, #tpu.memory_space<vmem_shared>>)
      tpu.yield
    }) : () -> ()
    %mul3A_170 = arith.constant 160000 : i32
    %mul3A_171 = arith.muli %arg0, %mul3A_170 : i32
    %mul3A_172 = arith.constant 10000 : i32
    %mul3A_173 = arith.muli %arg1, %mul3A_172 : i32
    %add3A_174 = arith.addi %mul3A_171, %mul3A_173 : i32
    %add3A_175 = arith.constant 8800 : i32
    %add3A_176 = arith.addi %add3A_174, %add3A_175 : i32
    "tpu.region"() ({
      %run_scoped3A = tpu.sem_alloc : memref<!tpu.dma_semaphore, #tpu.memory_space<semaphore_mem>>
      %dma_start3A = tpu.memref_slice %arg2[%add3A_176] : memref<320000xi32, #tpu.memory_space<hbm>> -> memref<400xi32, #tpu.memory_space<hbm>>
      %dma_start3A_199 = tpu.memref_slice %arg2[%add3A_176] : memref<320000xi32, #tpu.memory_space<hbm>> -> memref<400xi32, #tpu.memory_space<hbm>>
      tpu.enqueue_dma source(%dma_start3A_199 : memref<400xi32, #tpu.memory_space<hbm>>) target(%arg4 : memref<400xi32, #tpu.memory_space<vmem>>) target_semaphore(%run_scoped3A : memref<!tpu.dma_semaphore, #tpu.memory_space<semaphore_mem>>)
      %dma_wait3A = tpu.memref_slice %arg2[%add3A_176] : memref<320000xi32, #tpu.memory_space<hbm>> -> memref<400xi32, #tpu.memory_space<hbm>>
      %dma_wait3A_200 = tpu.memref_slice %arg2[%add3A_176] : memref<320000xi32, #tpu.memory_space<hbm>> -> memref<400xi32, #tpu.memory_space<hbm>>
      tpu.wait_dma2 semaphore(%run_scoped3A : memref<!tpu.dma_semaphore, #tpu.memory_space<semaphore_mem>>) src(%dma_wait3A_200 : memref<400xi32, #tpu.memory_space<hbm>>) dst(%arg4 : memref<400xi32, #tpu.memory_space<vmem>>)
      tpu.yield
    }) : () -> ()
    "tpu.region"() ({
      %run_scoped3A = tpu.sem_alloc : memref<!tpu.dma_semaphore, #tpu.memory_space<semaphore_mem>>
      %dma_start3A = arith.constant 0 : i32
      %dma_start3A_199 = tpu.memref_slice %arg8[%dma_start3A] : memref<10240xf32, #tpu.memory_space<vmem_shared>> -> memref<10240xf32, #tpu.memory_space<vmem_shared>>
      tpu.enqueue_indirect_dma source(%arg5 : memref<400xf32, #tpu.memory_space<vmem>>) target(%dma_start3A_199 : memref<10240xf32, #tpu.memory_space<vmem_shared>>) offsets(%arg4 : memref<400xi32, #tpu.memory_space<vmem>>) semaphore(%run_scoped3A : memref<!tpu.dma_semaphore, #tpu.memory_space<semaphore_mem>>) {add = true}
      %dma_wait3A = arith.constant 0 : i32
      %dma_wait3A_200 = tpu.memref_slice %arg8[%dma_wait3A] : memref<10240xf32, #tpu.memory_space<vmem_shared>> -> memref<10240xf32, #tpu.memory_space<vmem_shared>>
      tpu.wait_indirect_dma semaphore(%run_scoped3A : memref<!tpu.dma_semaphore, #tpu.memory_space<semaphore_mem>>) src(%arg5 : memref<400xf32, #tpu.memory_space<vmem>>) dst(%dma_wait3A_200 : memref<10240xf32, #tpu.memory_space<vmem_shared>>)
      tpu.yield
    }) : () -> ()
    %mul3A_177 = arith.constant 160000 : i32
    %mul3A_178 = arith.muli %arg0, %mul3A_177 : i32
    %mul3A_179 = arith.constant 10000 : i32
    %mul3A_180 = arith.muli %arg1, %mul3A_179 : i32
    %add3A_181 = arith.addi %mul3A_178, %mul3A_180 : i32
    %add3A_182 = arith.constant 9200 : i32
    %add3A_183 = arith.addi %add3A_181, %add3A_182 : i32
    "tpu.region"() ({
      %run_scoped3A = tpu.sem_alloc : memref<!tpu.dma_semaphore, #tpu.memory_space<semaphore_mem>>
      %dma_start3A = tpu.memref_slice %arg2[%add3A_183] : memref<320000xi32, #tpu.memory_space<hbm>> -> memref<400xi32, #tpu.memory_space<hbm>>
      %dma_start3A_199 = tpu.memref_slice %arg2[%add3A_183] : memref<320000xi32, #tpu.memory_space<hbm>> -> memref<400xi32, #tpu.memory_space<hbm>>
      tpu.enqueue_dma source(%dma_start3A_199 : memref<400xi32, #tpu.memory_space<hbm>>) target(%arg4 : memref<400xi32, #tpu.memory_space<vmem>>) target_semaphore(%run_scoped3A : memref<!tpu.dma_semaphore, #tpu.memory_space<semaphore_mem>>)
      %dma_wait3A = tpu.memref_slice %arg2[%add3A_183] : memref<320000xi32, #tpu.memory_space<hbm>> -> memref<400xi32, #tpu.memory_space<hbm>>
      %dma_wait3A_200 = tpu.memref_slice %arg2[%add3A_183] : memref<320000xi32, #tpu.memory_space<hbm>> -> memref<400xi32, #tpu.memory_space<hbm>>
      tpu.wait_dma2 semaphore(%run_scoped3A : memref<!tpu.dma_semaphore, #tpu.memory_space<semaphore_mem>>) src(%dma_wait3A_200 : memref<400xi32, #tpu.memory_space<hbm>>) dst(%arg4 : memref<400xi32, #tpu.memory_space<vmem>>)
      tpu.yield
    }) : () -> ()
    "tpu.region"() ({
      %run_scoped3A = tpu.sem_alloc : memref<!tpu.dma_semaphore, #tpu.memory_space<semaphore_mem>>
      %dma_start3A = arith.constant 0 : i32
      %dma_start3A_199 = tpu.memref_slice %arg8[%dma_start3A] : memref<10240xf32, #tpu.memory_space<vmem_shared>> -> memref<10240xf32, #tpu.memory_space<vmem_shared>>
      tpu.enqueue_indirect_dma source(%arg5 : memref<400xf32, #tpu.memory_space<vmem>>) target(%dma_start3A_199 : memref<10240xf32, #tpu.memory_space<vmem_shared>>) offsets(%arg4 : memref<400xi32, #tpu.memory_space<vmem>>) semaphore(%run_scoped3A : memref<!tpu.dma_semaphore, #tpu.memory_space<semaphore_mem>>) {add = true}
      %dma_wait3A = arith.constant 0 : i32
      %dma_wait3A_200 = tpu.memref_slice %arg8[%dma_wait3A] : memref<10240xf32, #tpu.memory_space<vmem_shared>> -> memref<10240xf32, #tpu.memory_space<vmem_shared>>
      tpu.wait_indirect_dma semaphore(%run_scoped3A : memref<!tpu.dma_semaphore, #tpu.memory_space<semaphore_mem>>) src(%arg5 : memref<400xf32, #tpu.memory_space<vmem>>) dst(%dma_wait3A_200 : memref<10240xf32, #tpu.memory_space<vmem_shared>>)
      tpu.yield
    }) : () -> ()
    %mul3A_184 = arith.constant 160000 : i32
    %mul3A_185 = arith.muli %arg0, %mul3A_184 : i32
    %mul3A_186 = arith.constant 10000 : i32
    %mul3A_187 = arith.muli %arg1, %mul3A_186 : i32
    %add3A_188 = arith.addi %mul3A_185, %mul3A_187 : i32
    %add3A_189 = arith.constant 9600 : i32
    %add3A_190 = arith.addi %add3A_188, %add3A_189 : i32
    "tpu.region"() ({
      %run_scoped3A = tpu.sem_alloc : memref<!tpu.dma_semaphore, #tpu.memory_space<semaphore_mem>>
      %dma_start3A = tpu.memref_slice %arg2[%add3A_190] : memref<320000xi32, #tpu.memory_space<hbm>> -> memref<400xi32, #tpu.memory_space<hbm>>
      %dma_start3A_199 = tpu.memref_slice %arg2[%add3A_190] : memref<320000xi32, #tpu.memory_space<hbm>> -> memref<400xi32, #tpu.memory_space<hbm>>
      tpu.enqueue_dma source(%dma_start3A_199 : memref<400xi32, #tpu.memory_space<hbm>>) target(%arg4 : memref<400xi32, #tpu.memory_space<vmem>>) target_semaphore(%run_scoped3A : memref<!tpu.dma_semaphore, #tpu.memory_space<semaphore_mem>>)
      %dma_wait3A = tpu.memref_slice %arg2[%add3A_190] : memref<320000xi32, #tpu.memory_space<hbm>> -> memref<400xi32, #tpu.memory_space<hbm>>
      %dma_wait3A_200 = tpu.memref_slice %arg2[%add3A_190] : memref<320000xi32, #tpu.memory_space<hbm>> -> memref<400xi32, #tpu.memory_space<hbm>>
      tpu.wait_dma2 semaphore(%run_scoped3A : memref<!tpu.dma_semaphore, #tpu.memory_space<semaphore_mem>>) src(%dma_wait3A_200 : memref<400xi32, #tpu.memory_space<hbm>>) dst(%arg4 : memref<400xi32, #tpu.memory_space<vmem>>)
      tpu.yield
    }) : () -> ()
    "tpu.region"() ({
      %run_scoped3A = tpu.sem_alloc : memref<!tpu.dma_semaphore, #tpu.memory_space<semaphore_mem>>
      %dma_start3A = arith.constant 0 : i32
      %dma_start3A_199 = tpu.memref_slice %arg8[%dma_start3A] : memref<10240xf32, #tpu.memory_space<vmem_shared>> -> memref<10240xf32, #tpu.memory_space<vmem_shared>>
      tpu.enqueue_indirect_dma source(%arg5 : memref<400xf32, #tpu.memory_space<vmem>>) target(%dma_start3A_199 : memref<10240xf32, #tpu.memory_space<vmem_shared>>) offsets(%arg4 : memref<400xi32, #tpu.memory_space<vmem>>) semaphore(%run_scoped3A : memref<!tpu.dma_semaphore, #tpu.memory_space<semaphore_mem>>) {add = true}
      %dma_wait3A = arith.constant 0 : i32
      %dma_wait3A_200 = tpu.memref_slice %arg8[%dma_wait3A] : memref<10240xf32, #tpu.memory_space<vmem_shared>> -> memref<10240xf32, #tpu.memory_space<vmem_shared>>
      tpu.wait_indirect_dma semaphore(%run_scoped3A : memref<!tpu.dma_semaphore, #tpu.memory_space<semaphore_mem>>) src(%arg5 : memref<400xf32, #tpu.memory_space<vmem>>) dst(%dma_wait3A_200 : memref<10240xf32, #tpu.memory_space<vmem_shared>>)
      tpu.yield
    }) : () -> ()
    %barrier3A_191 = arith.constant 0 : index
    tpu.barrier barrier_id(%barrier3A_191)
    %mul3A_192 = arith.constant 640 : i32
    %mul3A_193 = arith.muli %arg1, %mul3A_192 : i32
    "tpu.region"() ({
      %run_scoped3A = tpu.sem_alloc : memref<!tpu.dma_semaphore, #tpu.memory_space<semaphore_mem>>
      %dma_start3A = tpu.memref_slice %arg8[%mul3A_193] : memref<10240xf32, #tpu.memory_space<vmem_shared>> -> memref<640xf32, #tpu.memory_space<vmem_shared>>
      %dma_start3A_199 = tpu.memref_slice %arg8[%mul3A_193] : memref<10240xf32, #tpu.memory_space<vmem_shared>> -> memref<640xf32, #tpu.memory_space<vmem_shared>>
      tpu.enqueue_dma source(%dma_start3A_199 : memref<640xf32, #tpu.memory_space<vmem_shared>>) target(%arg7 : memref<640xf32, #tpu.memory_space<vmem>>) target_semaphore(%run_scoped3A : memref<!tpu.dma_semaphore, #tpu.memory_space<semaphore_mem>>)
      %dma_wait3A = tpu.memref_slice %arg8[%mul3A_193] : memref<10240xf32, #tpu.memory_space<vmem_shared>> -> memref<640xf32, #tpu.memory_space<vmem_shared>>
      %dma_wait3A_200 = tpu.memref_slice %arg8[%mul3A_193] : memref<10240xf32, #tpu.memory_space<vmem_shared>> -> memref<640xf32, #tpu.memory_space<vmem_shared>>
      tpu.wait_dma2 semaphore(%run_scoped3A : memref<!tpu.dma_semaphore, #tpu.memory_space<semaphore_mem>>) src(%dma_wait3A_200 : memref<640xf32, #tpu.memory_space<vmem_shared>>) dst(%arg7 : memref<640xf32, #tpu.memory_space<vmem>>)
      tpu.yield
    }) : () -> ()
    %mul3A_194 = arith.constant 10240 : i32
    %mul3A_195 = arith.muli %arg0, %mul3A_194 : i32
    %mul3A_196 = arith.constant 640 : i32
    %mul3A_197 = arith.muli %arg1, %mul3A_196 : i32
    %add3A_198 = arith.addi %mul3A_195, %mul3A_197 : i32
    "tpu.region"() ({
      %run_scoped3A = tpu.sem_alloc : memref<!tpu.dma_semaphore, #tpu.memory_space<semaphore_mem>>
      %dma_start3A = tpu.memref_slice %arg3[%add3A_198] : memref<20480xf32, #tpu.memory_space<hbm>> -> memref<640xf32, #tpu.memory_space<hbm>>
      %dma_start3A_199 = tpu.memref_slice %arg3[%add3A_198] : memref<20480xf32, #tpu.memory_space<hbm>> -> memref<640xf32, #tpu.memory_space<hbm>>
      tpu.enqueue_dma source(%arg7 : memref<640xf32, #tpu.memory_space<vmem>>) target(%dma_start3A_199 : memref<640xf32, #tpu.memory_space<hbm>>) target_semaphore(%run_scoped3A : memref<!tpu.dma_semaphore, #tpu.memory_space<semaphore_mem>>)
      %dma_wait3A = tpu.memref_slice %arg3[%add3A_198] : memref<20480xf32, #tpu.memory_space<hbm>> -> memref<640xf32, #tpu.memory_space<hbm>>
      %dma_wait3A_200 = tpu.memref_slice %arg3[%add3A_198] : memref<20480xf32, #tpu.memory_space<hbm>> -> memref<640xf32, #tpu.memory_space<hbm>>
      tpu.wait_dma2 semaphore(%run_scoped3A : memref<!tpu.dma_semaphore, #tpu.memory_space<semaphore_mem>>) src(%arg7 : memref<640xf32, #tpu.memory_space<vmem>>) dst(%dma_wait3A_200 : memref<640xf32, #tpu.memory_space<hbm>>)
      tpu.yield
    }) : () -> ()
    return
  }
}

</mosaic_0001>

<sc_bundles>
// kernel: _degrees.3.cloned.1.call-start
scs
__scs_entry_jumppad:
0x0: {  	(pc) =	sbr.rel $0x88, $3  }
0x1: {  	(tag) =	ssettag $0x0;
	lr =	simm.s32 $0x1  }
0x2: {  	[smem:$0x3FA0] =	sst lr;
	_ =	strace $0xD0000000  }
0x3: {  	_ = 	snop  }
0x4: {  	_ = 	snop  }
0x5: {  	_ = 	snop  }
0x6: {  	_ = 	snop  }
0x7: {  	_ = 	snop  }
__scs_overlays_trampoline_lowered:
0x8: {  	[smem:$0x3FAF] =	sst s0  }
0x9: {  	[smem:$0x3FB0] =	sst s1  }
0xa: {  	[smem:$0x3FB1] =	sst s2  }
0xb: {  	[smem:$0x3FB2] =	sst s3  }
0xc: {  	[smem:$0x3FB3] =	sst s4  }
0xd: {  	[smem:$0x3FB4] =	sst s5  }
0xe: {  	[smem:$0x3FB5] =	sst s6  }
0xf: {  	[smem:$0x3FB6] =	sst s7  }
0x10: {  	[smem:$0x3FB7] =	sst s8  }
0x11: {  	[smem:$0x3FB8] =	sst s9;
	s0 =	simm.s32 @!p0 $0x0  }
0x12: {  	s1 =	sld [smem:$0x3F9E];
	s0 =	simm.s32 @p0 $0x1  }
0x13: {  	[smem:$0x3FB9] =	sst s0;
	s0 =	simm.s32 @!p1 $0x0  }
0x14: {  	s2 =	sld [smem:$0x3F9D];
	s0 =	simm.s32 @p1 $0x1  }
0x15: {  	[smem:$0x3FBA] =	sst s0;
	s0 =	simm.s32 @!p2 $0x0  }
0x16: {  	s3 =	sld [smem:$0x3FDB];
	s0 =	simm.s32 @p2 $0x1  }
0x17: {  	s4 =	simm.s32 $0x1BF5;
	[smem:$0x3FBC] =	sst s0  }
0x18: {  	s0 =	sld [smem:$0x3F9F];
	_ =	swait.ge [sflag:s4], $0x0  }
0x19: {  	s7 =	sld [smem:$0x3FA0]  }
0x1a: {  	s8 =	sadd.s32 $0xFFFFE003, lr  }
0x1b: {  	s9 =	sadd.s32 $0xFFFFFEF7, lr;
	s5 =	simm.s32 $0xFFFFFFFF;
	p2 =	slt.u32 s8, $0xFFFFF086  }
0x1c: {  	p1 =	slt.u32 s9, $0xF7A;
	s5 =	simm.s32 @!p2 $0x0  }
0x1d: {  	s5 =	simm.s32 @p1 $0x1;
	p0 =	seq.s32 s7, s2  }
0x1e: {  	s7 =	smul.u32 @!p0 $0xF7A, s2;
	p2 =	seq.s32 @!p0 s5, $0x0  }
0x1f: {  	s9 =	smul.u32 $0xF7A, s1;
	s8 =	simm.s32 @!p0 $0x1BF5;
	p2 =	por !p2, p0  }
0x20: {  	[sflag:s8] =	ssyncset.s32 @!p0 $0xFFFFF086;
	s6 =	sadd.s32 @!p0 s3, s7;
	s7 =	simm.s32 @!p0 $0x108  }
0x21: {  	s3 =	sadd.s32 s3, s9;
	s6 =	sadd.s32 @!p0 $0x88, s6;
	s7 =	simm.s32 @p2 $0x1082  }
0x22: {  	[simem:s7], [sflag:s8] =	dma.local @!p0 [hbm:s6], $0xF7A  }
0x23: {  	s9 =	sor.u32 $0xD0000000, s2;
	s6 =	simm.s32 $0x108;
	_ =	swait.ge @!p0 [sflag:s8], $0x0  }
0x24: {  	s3 =	sadd.s32 $0x88, s3;
	s6 =	simm.s32 @!p1 $0x1082;
	[sflag:s4] =	ssyncset.s32 $0xFFFFF086  }
0x25: {  	[simem:s6], [sflag:s4] =	dma.local [hbm:s3], $0xF7A  }
0x26: {  	[smem:$0x3FA0] =	sst s1;
	(tag) =	ssettag s2;
	_ =	strace s9  }
0x27: {  	s1 =	sld [smem:$0x3FB0]  }
0x28: {  	s2 =	sld [smem:$0x3FB1]  }
0x29: {  	s4 =	sld [smem:$0x3FB3]  }
0x2a: {  	p0 =	seq.s32 s5, $0x0;
	s5 =	sld [smem:$0x3FB4]  }
0x2b: {  	s6 =	sld [smem:$0x3FB5]  }
0x2c: {  	s7 =	sld [smem:$0x3FB6]  }
0x2d: {  	s3 =	simm.s32 $0x108;
	s8 =	sld [smem:$0x3FB7]  }
0x2e: {  	s3 =	simm.s32 @!p0 $0x1082;
	s9 =	sld [smem:$0x3FB8]  }
0x2f: {  	lr =	sadd.s32 s0, s3;
	s0 =	sld [smem:$0x3FAF]  }
0x30: {  	s3 =	sld [smem:$0x3FB2]  }
0x31: {  	[smem:$0x3FBB] =	sst s10  }
0x32: {  	s10 =	sld [smem:$0x3FB9];
	_ =	sdelay $0x3  }
0x33: {  	p0 =	seq.s32 s10, $0x1;
	s10 =	sld [smem:$0x3FBB];
	_ =	sdelay $0x3  }
0x34: {  	[smem:$0x3FBB] =	sst s10  }
0x35: {  	s10 =	sld [smem:$0x3FBA];
	_ =	sdelay $0x3  }
0x36: {  	p1 =	seq.s32 s10, $0x1;
	s10 =	sld [smem:$0x3FBB];
	_ =	sdelay $0x3  }
0x37: {  	[smem:$0x3FBB] =	sst s10  }
0x38: {  	s10 =	sld [smem:$0x3FBC]  }
0x39: {  	_ = 	snop;
	(pc) =	sbr.ind lr, $3  }
0x3a: {  	_ = 	snop  }
0x3b: {  	_ = 	snop  }
0x3c: {  	p2 =	seq.s32 s10, $0x1;
	s10 =	sld [smem:$0x3FBB]  }
0x3d: {  	_ =	shalt  }
0x3e: {  	_ =	shalt  }
0x3f: {  	_ =	shalt  }
0x40: {  	_ =	shalt  }
0x41: {  	_ =	shalt  }
0x42: {  	_ =	shalt  }
0x43: {  	_ =	shalt  }
0x44: {  	_ =	shalt  }
0x45: {  	_ =	shalt  }
0x46: {  	_ =	shalt  }
0x47: {  	_ =	shalt  }
0x48: {  	_ =	shalt  }
0x49: {  	_ =	shalt  }
0x4a: {  	_ =	shalt  }
0x4b: {  	_ =	shalt  }
0x4c: {  	_ =	shalt  }
0x4d: {  	_ =	shalt  }
0x4e: {  	_ =	shalt  }
0x4f: {  	_ =	shalt  }
0x50: {  	_ =	shalt  }
0x51: {  	_ =	shalt  }
0x52: {  	_ =	shalt  }
0x53: {  	_ =	shalt  }
0x54: {  	_ =	shalt  }
0x55: {  	_ =	shalt  }
0x56: {  	_ =	shalt  }
0x57: {  	_ =	shalt  }
0x58: {  	_ =	shalt  }
0x59: {  	_ =	shalt  }
0x5a: {  	_ =	shalt  }
0x5b: {  	_ =	shalt  }
0x5c: {  	_ =	shalt  }
0x5d: {  	_ =	shalt  }
0x5e: {  	_ =	shalt  }
0x5f: {  	_ =	shalt  }
0x60: {  	_ =	shalt  }
0x61: {  	_ =	shalt  }
0x62: {  	_ =	shalt  }
0x63: {  	_ =	shalt  }
0x64: {  	_ =	shalt  }
0x65: {  	_ =	shalt  }
0x66: {  	_ =	shalt  }
0x67: {  	_ =	shalt  }
0x68: {  	_ =	shalt  }
0x69: {  	_ =	shalt  }
0x6a: {  	_ =	shalt  }
0x6b: {  	_ =	shalt  }
0x6c: {  	_ =	shalt  }
0x6d: {  	_ =	shalt  }
0x6e: {  	_ =	shalt  }
0x6f: {  	_ =	shalt  }
0x70: {  	_ =	shalt  }
0x71: {  	_ =	shalt  }
0x72: {  	_ =	shalt  }
0x73: {  	_ =	shalt  }
0x74: {  	_ =	shalt  }
0x75: {  	_ =	shalt  }
0x76: {  	_ =	shalt  }
0x77: {  	_ =	shalt  }
0x78: {  	_ =	shalt  }
0x79: {  	_ =	shalt  }
0x7a: {  	_ =	shalt  }
0x7b: {  	_ =	shalt  }
0x7c: {  	_ =	shalt  }
0x7d: {  	_ =	shalt  }
0x7e: {  	_ =	shalt  }
0x7f: {  	_ =	shalt  }
0x80: {  	_ =	shalt  }
0x81: {  	_ =	shalt  }
0x82: {  	_ =	shalt  }
0x83: {  	_ =	shalt  }
0x84: {  	_ =	shalt  }
0x85: {  	_ =	shalt  }
0x86: {  	_ =	shalt  }
0x87: {  	_ =	shalt  }
.Lfunc_end0:
.L_simem_size_0:
called_computation_lowered:
.L_overlay_start_0:
0x88: {  	s2 =	sld [smem:$0x3FD9]  }
0x89: {  	s3 =	sld [smem:$0x3FFE];
	_ =	sdelay $0x1  }
0x8a: {  	s1 =	srdreg.scid  }
0x8b: {  	s0 =	sand.u32 $0x1, s1  }
0x8c: {  	s18 =	sshll.u32 s0, $0xA;
	s2 =	sadd.s32 s3, s2  }
0x8d: {  	s2 =	sadd.s32 s2, s18  }
0x8e: {  	[smem:$0x3FC7] =	sst s2  }
0x8f: {  	_ = 	snop  }
0x90: {  	s2 =	sld [smem:$0x3FC9]  }
0x91: {  	s19 =	sld [smem:$0x3FD0];
	(tm) =	ssettm $0x1  }
0x92: {  	s4 =	sld [smem:$0x3FFB];
	_ =	sdelay $0x3  }
0x93: {  	_ =	strace s4  }
0x94: {  	s4 =	sld [smem:$0x3FFC];
	_ =	sdelay $0x3  }
0x95: {  	_ =	strace s4  }
0x96: {  	s4 =	sld [smem:$0x3FFD];
	_ =	sdelay $0x3  }
0x97: {  	_ =	strace s4  }
0x98: {  	_ =	strace $0x8FFFFFFF  }
0x99: {  	s20 =	sld [smem:$0x3FDB];
	_ =	sdelay $0x1  }
0x9a: {  	s5 =	simm.s32 $_scs_section_size  }
0x9b: {  	s6 =	simm.s32 $_size__tile_overlayer_lowered;
	s7 =	simm.s32 $_tile_overlayer_lowered  }
0x9c: {  	s23 =	simm.s32 $0x1BFF;
	s22 =	sshll.u32 s7, $0x1;
	s4 =	sadd.s32 s5, s20  }
0x9d: {  	s8 =	simm.s32 $0x0;
	s21 =	sshll.u32 s6, $0x1;
	s6 =	sadd.s32 s22, s4  }
0x9e: {  	[timem:s8], [sflag:s23] =	dma.local [hbm:s6], s21  }
0x9f: {  	_ =	swait.ge [sflag:s23], s21  }
0xa0: {  	s5 =	ssub.s32 $0x0, s21;
	[sflag:s23] =	ssyncset.done $0x0  }
0xa1: {  	[sflag:s23] =	ssyncadd.s32 s5;
	_ =	sdelay $0x1  }
0xa2: {  	s24 =	simm.s32 $0x1B8B  }
0xa3: {  	_ =	swait.ge [sflag:s24], $0x1  }
0xa4: {  	[sflag:s24] =	ssyncset.done $0x0  }
0xa5: {  	s25 =	simm.s32 $0x1B8E;
	[sflag:s24] =	ssyncadd.s32 $0xFFFFFFFF  }
0xa6: {  	s26 =	simm.s32 $execute0_lowered;
	[smem:$0x3FD2] =	sst s25  }
0xa7: {  	s5 =	sshll.u32 s26, $0x1;
	_ =	strace $0x80000046;
	[dreg:$0x1] =	wrdreg $0xFFFFFFFF  }
0xa8: {  	s28 =	simm.s32 $_size_execute0_lowered;
	s4 =	sadd.s32 s4, s5;
	[dreg:$0x0] =	wrdreg $0x0  }
0xa9: {  	s5 =	sshll.u32 s28, $0x1;
	[dreg:$0x2] =	wrdreg s4  }
0xaa: {  	[dreg:$0x3] =	wrdreg s5  }
0xab: {  	[dreg:$0x4] =	wrdreg $0xC0  }
0xac: {  	_ =	task [dreg:s8], $0x5FFFF  }
0xad: {  	[dreg:$0x1] =	wrdreg $0xFFFFFFFF  }
0xae: {  	[dreg:$0x0] =	wrdreg $0x60  }
0xaf: {  	[dreg:$0x2] =	wrdreg s2  }
0xb0: {  	[dreg:$0x3] =	wrdreg s19  }
0xb1: {  	[dreg:$0x4] =	wrdreg $0x9000  }
0xb2: {  	[dreg:$0x5] =	wrdreg $0x9  }
0xb3: {  	_ =	task.clear_ibuf [dreg:s8], $0x6FFFF;
	_ =	strace $0x90000046  }
0xb4: {  	s29 =	simm.s32 $0x9;
	_ =	strace $0x80000048  }
0xb5: {  	_ =	swait.ge [sflag:s29], $0x1  }
0xb6: {  	[sflag:s29] =	ssyncadd.s32 $0xFFFFFFFF  }
0xb7: {  	_ =	strace $0x90000048  }
0xb8: {  	_ =	sfence  }
0xb9: {  	s30 =	sld [smem:$0x0];
	_ =	sdelay $0x2  }
0xba: {  	s31 =	sshll.u32 s1, $0xD;
	s1 =	sshrl.u32 s1, $0x2  }
0xbb: {  	s3 =	sand.u32 $0x4000, s31;
	s1 =	sadd.s32 s1, s30  }
0xbc: {  	s0 =	sor.u32 s3, s0;
	s1 =	sshll.u32 s1, $0x11  }
0xbd: {  	s0 =	sor.u32 s1, s0  }
0xbe: {  	s0 =	sadd.s32 $0x8F2B, s0  }
0xbf: {  	[sflag:s0] =	ssyncadd.remote.s32 $0x1  }
0xc0: {  	_ =	sfence.sel $0xFFFF  }
0xc1: {  	[dreg:$0x0] =	wrdreg $0xFFFFFFFF;
	(pc) =	sbr.abs _section_cstart, $3  }
0xc2: {  	[dreg:$0x1] =	wrdreg $0xFFFFFFFF  }
0xc3: {  	_ =	task.clear_ibuf [dreg:s8], $0x2FFFF;
	_ =	strace $0x9FFFFFFF  }
0xc4: {  	(tm) =	ssettm $0x7FFFFFFF  }
0xc5: {  	_ =	shalt  }
tec
execute0_lowered:
.L_overlay_start_1:
0x0: {  	(tag) =	ssettag $0x1  }
0x1: {  	s4 =	rddreg [dreg:$0x0];
	s2 =	simm.s32 $0x0  }
0x2: {  	v0 =	vimm.f32 $1.000000000e+00;
	[smem:$0x7FF] =	sst s2  }
0x3: {  	s1 =	rddreg [dreg:$0x2];
	_ =	strace $0x80000047;
	[tilespmem:$0x220] =	vst v0  }
0x4: {  	[tilespmem:$0x230] =	vst v0  }
0x5: {  	[tilespmem:$0x240] =	vst v0  }
0x6: {  	[tilespmem:$0x250] =	vst v0  }
0x7: {  	[tilespmem:$0x260] =	vst v0  }
0x8: {  	[tilespmem:$0x270] =	vst v0  }
0x9: {  	[tilespmem:$0x280] =	vst v0  }
0xa: {  	[tilespmem:$0x290] =	vst v0  }
0xb: {  	[tilespmem:$0x2A0] =	vst v0  }
0xc: {  	[tilespmem:$0x2B0] =	vst v0  }
0xd: {  	[tilespmem:$0x2C0] =	vst v0  }
0xe: {  	[tilespmem:$0x2D0] =	vst v0  }
0xf: {  	[tilespmem:$0x2E0] =	vst v0  }
0x10: {  	[tilespmem:$0x2F0] =	vst v0  }
0x11: {  	[tilespmem:$0x300] =	vst v0  }
0x12: {  	[tilespmem:$0x310] =	vst v0  }
0x13: {  	[tilespmem:$0x320] =	vst v0  }
0x14: {  	[tilespmem:$0x330] =	vst v0  }
0x15: {  	[tilespmem:$0x340] =	vst v0  }
0x16: {  	[tilespmem:$0x350] =	vst v0  }
0x17: {  	[tilespmem:$0x360] =	vst v0  }
0x18: {  	[tilespmem:$0x370] =	vst v0  }
0x19: {  	v1 =	vimm.f32 $0.0e+00;
	[tilespmem:$0x380] =	vst v0  }
0x1a: {  	[tilespmem:$0x400] =	vst v1  }
0x1b: {  	[tilespmem:$0x410] =	vst v1  }
0x1c: {  	[tilespmem:$0x420] =	vst v1  }
0x1d: {  	[tilespmem:$0x430] =	vst v1  }
0x1e: {  	[tilespmem:$0x440] =	vst v1  }
0x1f: {  	[tilespmem:$0x450] =	vst v1  }
0x20: {  	[tilespmem:$0x460] =	vst v1  }
0x21: {  	[tilespmem:$0x470] =	vst v1  }
0x22: {  	[tilespmem:$0x200] =	vst v0  }
0x23: {  	[tilespmem:$0x670] =	vst v1  }
0x24: {  	[tilespmem:$0x660] =	vst v1  }
0x25: {  	[tilespmem:$0x650] =	vst v1  }
0x26: {  	[tilespmem:$0x640] =	vst v1  }
0x27: {  	[tilespmem:$0x630] =	vst v1  }
0x28: {  	[tilespmem:$0x620] =	vst v1  }
0x29: {  	[tilespmem:$0x610] =	vst v1  }
0x2a: {  	[tilespmem:$0x600] =	vst v1  }
0x2b: {  	[tilespmem:$0x5F0] =	vst v1  }
0x2c: {  	[tilespmem:$0x5E0] =	vst v1  }
0x2d: {  	[tilespmem:$0x5D0] =	vst v1  }
0x2e: {  	[tilespmem:$0x5C0] =	vst v1  }
0x2f: {  	[tilespmem:$0x5B0] =	vst v1  }
0x30: {  	[tilespmem:$0x5A0] =	vst v1  }
0x31: {  	[tilespmem:$0x590] =	vst v1  }
0x32: {  	[tilespmem:$0x580] =	vst v1  }
0x33: {  	[tilespmem:$0x570] =	vst v1  }
0x34: {  	[tilespmem:$0x560] =	vst v1  }
0x35: {  	[tilespmem:$0x550] =	vst v1  }
0x36: {  	[tilespmem:$0x540] =	vst v1  }
0x37: {  	s3 =	srdreg.scid;
	s0 =	stileid.u32;
	[tilespmem:$0x530] =	vst v1  }
0x38: {  	s30 =	sand.u32 $0x1, s3;
	s6 =	smul.u32 $0x2710, s0;
	[tilespmem:$0x520] =	vst v1  }
0x39: {  	s5 =	smul.u32 $0x27100, s30;
	[tilespmem:$0x510] =	vst v1  }
0x3a: {  	[tilespmem:$0x500] =	vst v1  }
0x3b: {  	[tilespmem:$0x4F0] =	vst v1;
	s5 =	sadd.s32 s6, s5  }
0x3c: {  	[tilespmem:$0x4E0] =	vst v1;
	s5 =	sshrl.u32 s5, $0x3  }
0x3d: {  	[tilespmem:$0x4D0] =	vst v1;
	s4 =	sadd.s32 s4, s5  }
0x3e: {  	[tilespmem:$0x4C0] =	vst v1;
	s5 =	sadd.s32 $0x32, s4  }
0x3f: {  	[tilespmem:$0x4B0] =	vst v1;
	s20 =	sadd.s32 $0x64, s4;
	[dreg:$0x4] =	wrdreg s5  }
0x40: {  	[tilespmem:$0x4A0] =	vst v1;
	s21 =	sadd.s32 $0x96, s4;
	[dreg:$0x5] =	wrdreg s20  }
0x41: {  	s31 =	smul.u32 $0x280, s0;
	[tilespmem:$0x490] =	vst v1;
	s22 =	sadd.s32 $0xC8, s4;
	[dreg:$0x6] =	wrdreg s21  }
0x42: {  	s7 =	simm.s32 $0x400;
	[tilespmem:$0x480] =	vst v1;
	s23 =	sadd.s32 $0xFA, s4;
	[dreg:$0x7] =	wrdreg s22  }
0x43: {  	[tilespmem:$0x210] =	vst v0;
	s6 =	simm.s32 $0x1;
	s5 =	sadd.s32 s31, s1;
	[dreg:$0x8] =	wrdreg s23  }
0x44: {  	[spmem:s5] =	stream.linear.scatter [tilespmem:s7], [sflag:$0x1], $0x280, $0x38;
	[tilespmem:$0xB80] =	vst v63  }
0x45: {  	_ =	swait.ge [sflag:s6], $0x280  }
0x46: {  	[sflag:s6] =	ssyncset.done $0x0  }
0x47: {  	[sflag:s6] =	ssyncadd.s32 $0xFFFFFD80  }
0x48: {  	[bflag:$0x0] =	sbarrier.arrive $0xFFFF  }
0x49: {  	[tilespmem:s2], [sflag:$0x1] =	stream.linear.gather [hbm4b:s4+s2], $0x190, $0x38;
	[tilespmem:$0xB80] =	vst v63  }
0x4a: {  	_ =	swait.ge [sflag:s6], $0x190  }
0x4b: {  	[sflag:s6] =	ssyncset.done $0x0  }
0x4c: {  	s8 =	simm.s32 $0x190;
	s9 =	simm.s32 $0x200;
	[sflag:s6] =	ssyncadd.s32 $0xFFFFFE70  }
0x4d: {  	[spmem:s1] =	stream.indirect.scatter.add.f32 [tilespmem:s9], [sflag:$0x1], $0x1, s2, s8, $0xb8;
	[tilespmem:$0xB80] =	vst v63  }
0x4e: {  	_ =	swait.ge [sflag:s6], $0x190  }
0x4f: {  	[sflag:s6] =	ssyncset.done $0x0  }
0x50: {  	s10 =	rddreg [dreg:$0x4];
	[sflag:s6] =	ssyncadd.s32 $0xFFFFFE70  }
0x51: {  	[tilespmem:s2], [sflag:$0x1] =	stream.linear.gather [hbm4b:s10+s2], $0x190, $0x38;
	[tilespmem:$0xB80] =	vst v63  }
0x52: {  	_ =	swait.ge [sflag:s6], $0x190  }
0x53: {  	[sflag:s6] =	ssyncset.done $0x0  }
0x54: {  	[sflag:s6] =	ssyncadd.s32 $0xFFFFFE70  }
0x55: {  	[spmem:s1] =	stream.indirect.scatter.add.f32 [tilespmem:s9], [sflag:$0x1], $0x1, s2, s8, $0xb8;
	[tilespmem:$0xB80] =	vst v63  }
0x56: {  	_ =	swait.ge [sflag:s6], $0x190  }
0x57: {  	[sflag:s6] =	ssyncset.done $0x0  }
0x58: {  	s24 =	rddreg [dreg:$0x5];
	[sflag:s6] =	ssyncadd.s32 $0xFFFFFE70  }
0x59: {  	[tilespmem:s2], [sflag:$0x1] =	stream.linear.gather [hbm4b:s24+s2], $0x190, $0x38;
	[tilespmem:$0xB80] =	vst v63  }
0x5a: {  	_ =	swait.ge [sflag:s6], $0x190  }
0x5b: {  	[sflag:s6] =	ssyncset.done $0x0  }
0x5c: {  	[sflag:s6] =	ssyncadd.s32 $0xFFFFFE70  }
0x5d: {  	[spmem:s1] =	stream.indirect.scatter.add.f32 [tilespmem:s9], [sflag:$0x1], $0x1, s2, s8, $0xb8;
	[tilespmem:$0xB80] =	vst v63  }
0x5e: {  	_ =	swait.ge [sflag:s6], $0x190  }
0x5f: {  	[sflag:s6] =	ssyncset.done $0x0  }
0x60: {  	s25 =	rddreg [dreg:$0x6];
	[sflag:s6] =	ssyncadd.s32 $0xFFFFFE70  }
0x61: {  	[tilespmem:s2], [sflag:$0x1] =	stream.linear.gather [hbm4b:s25+s2], $0x190, $0x38;
	[tilespmem:$0xB80] =	vst v63  }
0x62: {  	_ =	swait.ge [sflag:s6], $0x190  }
0x63: {  	[sflag:s6] =	ssyncset.done $0x0  }
0x64: {  	[sflag:s6] =	ssyncadd.s32 $0xFFFFFE70  }
0x65: {  	[spmem:s1] =	stream.indirect.scatter.add.f32 [tilespmem:s9], [sflag:$0x1], $0x1, s2, s8, $0xb8;
	[tilespmem:$0xB80] =	vst v63  }
0x66: {  	_ =	swait.ge [sflag:s6], $0x190  }
0x67: {  	[sflag:s6] =	ssyncset.done $0x0  }
0x68: {  	s26 =	rddreg [dreg:$0x7];
	[sflag:s6] =	ssyncadd.s32 $0xFFFFFE70  }
0x69: {  	[tilespmem:s2], [sflag:$0x1] =	stream.linear.gather [hbm4b:s26+s2], $0x190, $0x38;
	[tilespmem:$0xB80] =	vst v63  }
0x6a: {  	_ =	swait.ge [sflag:s6], $0x190  }
0x6b: {  	[sflag:s6] =	ssyncset.done $0x0  }
0x6c: {  	[sflag:s6] =	ssyncadd.s32 $0xFFFFFE70  }
0x6d: {  	[spmem:s1] =	stream.indirect.scatter.add.f32 [tilespmem:s9], [sflag:$0x1], $0x1, s2, s8, $0xb8;
	[tilespmem:$0xB80] =	vst v63  }
0x6e: {  	_ =	swait.ge [sflag:s6], $0x190  }
0x6f: {  	[sflag:s6] =	ssyncset.done $0x0  }
0x70: {  	s0 =	rddreg [dreg:$0x8];
	[sflag:s6] =	ssyncadd.s32 $0xFFFFFE70  }
0x71: {  	[tilespmem:s2], [sflag:$0x1] =	stream.linear.gather [hbm4b:s0+s2], $0x190, $0x38;
	[tilespmem:$0xB80] =	vst v63  }
0x72: {  	_ =	swait.ge [sflag:s6], $0x190  }
0x73: {  	[sflag:s6] =	ssyncset.done $0x0  }
0x74: {  	[sflag:s6] =	ssyncadd.s32 $0xFFFFFE70  }
0x75: {  	[spmem:s1] =	stream.indirect.scatter.add.f32 [tilespmem:s9], [sflag:$0x1], $0x1, s2, s8, $0xb8;
	[tilespmem:$0xB80] =	vst v63  }
0x76: {  	_ =	swait.ge [sflag:s6], $0x190  }
0x77: {  	[sflag:s6] =	ssyncset.done $0x0  }
0x78: {  	s10 =	sadd.s32 $0x12C, s4;
	[sflag:s6] =	ssyncadd.s32 $0xFFFFFE70  }
0x79: {  	[tilespmem:s2], [sflag:$0x1] =	stream.linear.gather [hbm4b:s10+s2], $0x190, $0x38;
	[tilespmem:$0xB80] =	vst v63  }
0x7a: {  	_ =	swait.ge [sflag:s6], $0x190  }
0x7b: {  	[sflag:s6] =	ssyncset.done $0x0  }
0x7c: {  	[sflag:s6] =	ssyncadd.s32 $0xFFFFFE70  }
0x7d: {  	[spmem:s1] =	stream.indirect.scatter.add.f32 [tilespmem:s9], [sflag:$0x1], $0x1, s2, s8, $0xb8;
	[tilespmem:$0xB80] =	vst v63  }
0x7e: {  	_ =	swait.ge [sflag:s6], $0x190  }
0x7f: {  	[sflag:s6] =	ssyncset.done $0x0  }
0x80: {  	s11 =	sadd.s32 $0x15E, s4;
	[sflag:s6] =	ssyncadd.s32 $0xFFFFFE70  }
0x81: {  	[tilespmem:s2], [sflag:$0x1] =	stream.linear.gather [hbm4b:s11+s2], $0x190, $0x38;
	[tilespmem:$0xB80] =	vst v63  }
0x82: {  	_ =	swait.ge [sflag:s6], $0x190  }
0x83: {  	[sflag:s6] =	ssyncset.done $0x0  }
0x84: {  	[sflag:s6] =	ssyncadd.s32 $0xFFFFFE70  }
0x85: {  	[spmem:s1] =	stream.indirect.scatter.add.f32 [tilespmem:s9], [sflag:$0x1], $0x1, s2, s8, $0xb8;
	[tilespmem:$0xB80] =	vst v63  }
0x86: {  	_ =	swait.ge [sflag:s6], $0x190  }
0x87: {  	[sflag:s6] =	ssyncset.done $0x0  }
0x88: {  	s12 =	sadd.s32 $0x190, s4;
	[sflag:s6] =	ssyncadd.s32 $0xFFFFFE70  }
0x89: {  	[tilespmem:s2], [sflag:$0x1] =	stream.linear.gather [hbm4b:s12+s2], $0x190, $0x38;
	[tilespmem:$0xB80] =	vst v63  }
0x8a: {  	_ =	swait.ge [sflag:s6], $0x190  }
0x8b: {  	[sflag:s6] =	ssyncset.done $0x0  }
0x8c: {  	[sflag:s6] =	ssyncadd.s32 $0xFFFFFE70  }
0x8d: {  	[spmem:s1] =	stream.indirect.scatter.add.f32 [tilespmem:s9], [sflag:$0x1], $0x1, s2, s8, $0xb8;
	[tilespmem:$0xB80] =	vst v63  }
0x8e: {  	_ =	swait.ge [sflag:s6], $0x190  }
0x8f: {  	[sflag:s6] =	ssyncset.done $0x0  }
0x90: {  	s13 =	sadd.s32 $0x1C2, s4;
	[sflag:s6] =	ssyncadd.s32 $0xFFFFFE70  }
0x91: {  	[tilespmem:s2], [sflag:$0x1] =	stream.linear.gather [hbm4b:s13+s2], $0x190, $0x38;
	[tilespmem:$0xB80] =	vst v63  }
0x92: {  	_ =	swait.ge [sflag:s6], $0x190  }
0x93: {  	[sflag:s6] =	ssyncset.done $0x0  }
0x94: {  	[sflag:s6] =	ssyncadd.s32 $0xFFFFFE70  }
0x95: {  	[spmem:s1] =	stream.indirect.scatter.add.f32 [tilespmem:s9], [sflag:$0x1], $0x1, s2, s8, $0xb8;
	[tilespmem:$0xB80] =	vst v63  }
0x96: {  	_ =	swait.ge [sflag:s6], $0x190  }
0x97: {  	[sflag:s6] =	ssyncset.done $0x0  }
0x98: {  	s14 =	sadd.s32 $0x1F4, s4;
	[sflag:s6] =	ssyncadd.s32 $0xFFFFFE70  }
0x99: {  	[tilespmem:s2], [sflag:$0x1] =	stream.linear.gather [hbm4b:s14+s2], $0x190, $0x38;
	[tilespmem:$0xB80] =	vst v63  }
0x9a: {  	_ =	swait.ge [sflag:s6], $0x190  }
0x9b: {  	[sflag:s6] =	ssyncset.done $0x0  }
0x9c: {  	[sflag:s6] =	ssyncadd.s32 $0xFFFFFE70  }
0x9d: {  	[spmem:s1] =	stream.indirect.scatter.add.f32 [tilespmem:s9], [sflag:$0x1], $0x1, s2, s8, $0xb8;
	[tilespmem:$0xB80] =	vst v63  }
0x9e: {  	_ =	swait.ge [sflag:s6], $0x190  }
0x9f: {  	[sflag:s6] =	ssyncset.done $0x0  }
0xa0: {  	s15 =	sadd.s32 $0x226, s4;
	[sflag:s6] =	ssyncadd.s32 $0xFFFFFE70  }
0xa1: {  	[tilespmem:s2], [sflag:$0x1] =	stream.linear.gather [hbm4b:s15+s2], $0x190, $0x38;
	[tilespmem:$0xB80] =	vst v63  }
0xa2: {  	_ =	swait.ge [sflag:s6], $0x190  }
0xa3: {  	[sflag:s6] =	ssyncset.done $0x0  }
0xa4: {  	[sflag:s6] =	ssyncadd.s32 $0xFFFFFE70  }
0xa5: {  	[spmem:s1] =	stream.indirect.scatter.add.f32 [tilespmem:s9], [sflag:$0x1], $0x1, s2, s8, $0xb8;
	[tilespmem:$0xB80] =	vst v63  }
0xa6: {  	_ =	swait.ge [sflag:s6], $0x190  }
0xa7: {  	[sflag:s6] =	ssyncset.done $0x0  }
0xa8: {  	s16 =	sadd.s32 $0x258, s4;
	[sflag:s6] =	ssyncadd.s32 $0xFFFFFE70  }
0xa9: {  	[tilespmem:s2], [sflag:$0x1] =	stream.linear.gather [hbm4b:s16+s2], $0x190, $0x38;
	[tilespmem:$0xB80] =	vst v63  }
0xaa: {  	_ =	swait.ge [sflag:s6], $0x190  }
0xab: {  	[sflag:s6] =	ssyncset.done $0x0  }
0xac: {  	[sflag:s6] =	ssyncadd.s32 $0xFFFFFE70  }
0xad: {  	[spmem:s1] =	stream.indirect.scatter.add.f32 [tilespmem:s9], [sflag:$0x1], $0x1, s2, s8, $0xb8;
	[tilespmem:$0xB80] =	vst v63  }
0xae: {  	_ =	swait.ge [sflag:s6], $0x190  }
0xaf: {  	[sflag:s6] =	ssyncset.done $0x0  }
0xb0: {  	s17 =	sadd.s32 $0x28A, s4;
	[sflag:s6] =	ssyncadd.s32 $0xFFFFFE70  }
0xb1: {  	[tilespmem:s2], [sflag:$0x1] =	stream.linear.gather [hbm4b:s17+s2], $0x190, $0x38;
	[tilespmem:$0xB80] =	vst v63  }
0xb2: {  	_ =	swait.ge [sflag:s6], $0x190  }
0xb3: {  	[sflag:s6] =	ssyncset.done $0x0  }
0xb4: {  	[sflag:s6] =	ssyncadd.s32 $0xFFFFFE70  }
0xb5: {  	[spmem:s1] =	stream.indirect.scatter.add.f32 [tilespmem:s9], [sflag:$0x1], $0x1, s2, s8, $0xb8;
	[tilespmem:$0xB80] =	vst v63  }
0xb6: {  	_ =	swait.ge [sflag:s6], $0x190  }
0xb7: {  	[sflag:s6] =	ssyncset.done $0x0  }
0xb8: {  	s18 =	sadd.s32 $0x2BC, s4;
	[sflag:s6] =	ssyncadd.s32 $0xFFFFFE70  }
0xb9: {  	[tilespmem:s2], [sflag:$0x1] =	stream.linear.gather [hbm4b:s18+s2], $0x190, $0x38;
	[tilespmem:$0xB80] =	vst v63  }
0xba: {  	_ =	swait.ge [sflag:s6], $0x190  }
0xbb: {  	[sflag:s6] =	ssyncset.done $0x0  }
0xbc: {  	[sflag:s6] =	ssyncadd.s32 $0xFFFFFE70  }
0xbd: {  	[spmem:s1] =	stream.indirect.scatter.add.f32 [tilespmem:s9], [sflag:$0x1], $0x1, s2, s8, $0xb8;
	[tilespmem:$0xB80] =	vst v63  }
0xbe: {  	_ =	swait.ge [sflag:s6], $0x190  }
0xbf: {  	[sflag:s6] =	ssyncset.done $0x0  }
0xc0: {  	s19 =	sadd.s32 $0x2EE, s4;
	[sflag:s6] =	ssyncadd.s32 $0xFFFFFE70  }
0xc1: {  	[tilespmem:s2], [sflag:$0x1] =	stream.linear.gather [hbm4b:s19+s2], $0x190, $0x38;
	[tilespmem:$0xB80] =	vst v63  }
0xc2: {  	_ =	swait.ge [sflag:s6], $0x190  }
0xc3: {  	[sflag:s6] =	ssyncset.done $0x0  }
0xc4: {  	[sflag:s6] =	ssyncadd.s32 $0xFFFFFE70  }
0xc5: {  	[spmem:s1] =	stream.indirect.scatter.add.f32 [tilespmem:s9], [sflag:$0x1], $0x1, s2, s8, $0xb8;
	[tilespmem:$0xB80] =	vst v63  }
0xc6: {  	_ =	swait.ge [sflag:s6], $0x190  }
0xc7: {  	[sflag:s6] =	ssyncset.done $0x0  }
0xc8: {  	s20 =	sadd.s32 $0x320, s4;
	[sflag:s6] =	ssyncadd.s32 $0xFFFFFE70  }
0xc9: {  	[tilespmem:s2], [sflag:$0x1] =	stream.linear.gather [hbm4b:s20+s2], $0x190, $0x38;
	[tilespmem:$0xB80] =	vst v63  }
0xca: {  	_ =	swait.ge [sflag:s6], $0x190  }
0xcb: {  	[sflag:s6] =	ssyncset.done $0x0  }
0xcc: {  	[sflag:s6] =	ssyncadd.s32 $0xFFFFFE70  }
0xcd: {  	[spmem:s1] =	stream.indirect.scatter.add.f32 [tilespmem:s9], [sflag:$0x1], $0x1, s2, s8, $0xb8;
	[tilespmem:$0xB80] =	vst v63  }
0xce: {  	_ =	swait.ge [sflag:s6], $0x190  }
0xcf: {  	[sflag:s6] =	ssyncset.done $0x0  }
0xd0: {  	s21 =	sadd.s32 $0x352, s4;
	[sflag:s6] =	ssyncadd.s32 $0xFFFFFE70  }
0xd1: {  	[tilespmem:s2], [sflag:$0x1] =	stream.linear.gather [hbm4b:s21+s2], $0x190, $0x38;
	[tilespmem:$0xB80] =	vst v63  }
0xd2: {  	_ =	swait.ge [sflag:s6], $0x190  }
0xd3: {  	[sflag:s6] =	ssyncset.done $0x0  }
0xd4: {  	[sflag:s6] =	ssyncadd.s32 $0xFFFFFE70  }
0xd5: {  	[spmem:s1] =	stream.indirect.scatter.add.f32 [tilespmem:s9], [sflag:$0x1], $0x1, s2, s8, $0xb8;
	[tilespmem:$0xB80] =	vst v63  }
0xd6: {  	_ =	swait.ge [sflag:s6], $0x190  }
0xd7: {  	[sflag:s6] =	ssyncset.done $0x0  }
0xd8: {  	s22 =	sadd.s32 $0x384, s4;
	[sflag:s6] =	ssyncadd.s32 $0xFFFFFE70  }
0xd9: {  	[tilespmem:s2], [sflag:$0x1] =	stream.linear.gather [hbm4b:s22+s2], $0x190, $0x38;
	[tilespmem:$0xB80] =	vst v63  }
0xda: {  	_ =	swait.ge [sflag:s6], $0x190  }
0xdb: {  	[sflag:s6] =	ssyncset.done $0x0  }
0xdc: {  	[sflag:s6] =	ssyncadd.s32 $0xFFFFFE70  }
0xdd: {  	[spmem:s1] =	stream.indirect.scatter.add.f32 [tilespmem:s9], [sflag:$0x1], $0x1, s2, s8, $0xb8;
	[tilespmem:$0xB80] =	vst v63  }
0xde: {  	_ =	swait.ge [sflag:s6], $0x190  }
0xdf: {  	[sflag:s6] =	ssyncset.done $0x0  }
0xe0: {  	s23 =	sadd.s32 $0x3B6, s4;
	[sflag:s6] =	ssyncadd.s32 $0xFFFFFE70  }
0xe1: {  	[tilespmem:s2], [sflag:$0x1] =	stream.linear.gather [hbm4b:s23+s2], $0x190, $0x38;
	[tilespmem:$0xB80] =	vst v63  }
0xe2: {  	_ =	swait.ge [sflag:s6], $0x190  }
0xe3: {  	[sflag:s6] =	ssyncset.done $0x0  }
0xe4: {  	[sflag:s6] =	ssyncadd.s32 $0xFFFFFE70  }
0xe5: {  	[spmem:s1] =	stream.indirect.scatter.add.f32 [tilespmem:s9], [sflag:$0x1], $0x1, s2, s8, $0xb8;
	[tilespmem:$0xB80] =	vst v63  }
0xe6: {  	_ =	swait.ge [sflag:s6], $0x190  }
0xe7: {  	[sflag:s6] =	ssyncset.done $0x0  }
0xe8: {  	s24 =	sadd.s32 $0x3E8, s4;
	[sflag:s6] =	ssyncadd.s32 $0xFFFFFE70  }
0xe9: {  	[tilespmem:s2], [sflag:$0x1] =	stream.linear.gather [hbm4b:s24+s2], $0x190, $0x38;
	[tilespmem:$0xB80] =	vst v63  }
0xea: {  	_ =	swait.ge [sflag:s6], $0x190  }
0xeb: {  	[sflag:s6] =	ssyncset.done $0x0  }
0xec: {  	[sflag:s6] =	ssyncadd.s32 $0xFFFFFE70  }
0xed: {  	[spmem:s1] =	stream.indirect.scatter.add.f32 [tilespmem:s9], [sflag:$0x1], $0x1, s2, s8, $0xb8;
	[tilespmem:$0xB80] =	vst v63  }
0xee: {  	_ =	swait.ge [sflag:s6], $0x190  }
0xef: {  	[sflag:s6] =	ssyncset.done $0x0  }
0xf0: {  	s25 =	sadd.s32 $0x41A, s4;
	[sflag:s6] =	ssyncadd.s32 $0xFFFFFE70  }
0xf1: {  	[tilespmem:s2], [sflag:$0x1] =	stream.linear.gather [hbm4b:s25+s2], $0x190, $0x38;
	[tilespmem:$0xB80] =	vst v63  }
0xf2: {  	_ =	swait.ge [sflag:s6], $0x190  }
0xf3: {  	[sflag:s6] =	ssyncset.done $0x0  }
0xf4: {  	[sflag:s6] =	ssyncadd.s32 $0xFFFFFE70  }
0xf5: {  	[spmem:s1] =	stream.indirect.scatter.add.f32 [tilespmem:s9], [sflag:$0x1], $0x1, s2, s8, $0xb8;
	[tilespmem:$0xB80] =	vst v63  }
0xf6: {  	_ =	swait.ge [sflag:s6], $0x190  }
0xf7: {  	[sflag:s6] =	ssyncset.done $0x0  }
0xf8: {  	s26 =	sadd.s32 $0x44C, s4;
	[sflag:s6] =	ssyncadd.s32 $0xFFFFFE70  }
0xf9: {  	[tilespmem:s2], [sflag:$0x1] =	stream.linear.gather [hbm4b:s26+s2], $0x190, $0x38;
	[tilespmem:$0xB80] =	vst v63  }
0xfa: {  	_ =	swait.ge [sflag:s6], $0x190  }
0xfb: {  	[sflag:s6] =	ssyncset.done $0x0  }
0xfc: {  	[sflag:s6] =	ssyncadd.s32 $0xFFFFFE70  }
0xfd: {  	[spmem:s1] =	stream.indirect.scatter.add.f32 [tilespmem:s9], [sflag:$0x1], $0x1, s2, s8, $0xb8;
	[tilespmem:$0xB80] =	vst v63  }
0xfe: {  	_ =	swait.ge [sflag:s6], $0x190  }
0xff: {  	[sflag:s6] =	ssyncset.done $0x0  }
0x100: {  	s28 =	sadd.s32 $0x47E, s4;
	[sflag:s6] =	ssyncadd.s32 $0xFFFFFE70  }
0x101: {  	[tilespmem:s2], [sflag:$0x1] =	stream.linear.gather [hbm4b:s28+s2], $0x190, $0x38;
	[tilespmem:$0xB80] =	vst v63  }
0x102: {  	_ =	swait.ge [sflag:s6], $0x190  }
0x103: {  	[sflag:s6] =	ssyncset.done $0x0  }
0x104: {  	[sflag:s6] =	ssyncadd.s32 $0xFFFFFE70  }
0x105: {  	[spmem:s1] =	stream.indirect.scatter.add.f32 [tilespmem:s9], [sflag:$0x1], $0x1, s2, s8, $0xb8;
	[tilespmem:$0xB80] =	vst v63  }
0x106: {  	_ =	swait.ge [sflag:s6], $0x190  }
0x107: {  	[sflag:s6] =	ssyncset.done $0x0  }
0x108: {  	s29 =	sadd.s32 $0x4B0, s4;
	[sflag:s6] =	ssyncadd.s32 $0xFFFFFE70  }
0x109: {  	[tilespmem:s2], [sflag:$0x1] =	stream.linear.gather [hbm4b:s29+s2], $0x190, $0x38;
	[tilespmem:$0xB80] =	vst v63  }
0x10a: {  	_ =	swait.ge [sflag:s6], $0x190  }
0x10b: {  	[sflag:s6] =	ssyncset.done $0x0  }
0x10c: {  	[sflag:s6] =	ssyncadd.s32 $0xFFFFFE70  }
0x10d: {  	[spmem:s1] =	stream.indirect.scatter.add.f32 [tilespmem:s9], [sflag:$0x1], $0x1, s2, s8, $0xb8;
	[tilespmem:$0xB80] =	vst v63  }
0x10e: {  	s0 =	smul.u32 $0x2800, s30;
	_ =	swait.ge [sflag:s6], $0x190  }
0x10f: {  	s3 =	ssub.s32 $0x2, s30;
	[sflag:s6] =	ssyncset.done $0x0  }
0x110: {  	s0 =	sadd.s32 s31, s0;
	s31 =	sshrl.u32 s3, $0x1;
	[sflag:s6] =	ssyncadd.s32 $0xFFFFFE70  }
0x111: {  	s30 =	simm.s32 $0x680;
	s3 =	ssub.s32 s3, s31;
	[bflag:$0x0] =	sbarrier.arrive $0xFFFF  }
0x112: {  	[tilespmem:s30], [sflag:$0x1] =	stream.linear.gather [spmem:s5], $0x280, $0x38;
	[tilespmem:$0xB80] =	vst v63  }
0x113: {  	s3 =	smax.u32 s3, $0x1;
	_ =	swait.ge [sflag:s6], $0x280  }
0x114: {  	p0 =	sne.s32 s3, $0x1;
	[sflag:s6] =	ssyncset.done $0x0  }
.Ltmp0:
0x115: {  	s0 =	sshrl.u32 s0, $0x3;
	s31 =	rddreg [dreg:$0x1];
	(pc) =	sbr.rel @!p0 .LBB2_2-.Ltmp0, $4  }
0x116: {  	[sflag:s6] =	ssyncadd.s32 $0xFFFFFD80;
	s31 =	sadd.s32 s31, s0  }
0x117: {  	[hbm4b:s31+s2] =	stream.linear.scatter [tilespmem:s30], [sflag:$0x1], $0x280, $0x38;
	[tilespmem:$0xB80] =	vst v63  }
0x118: {  	_ =	swait.ge [sflag:s6], $0x280  }
0x119: {  	s0 =	sadd.s32 $0xFFFFFFFF, s3;
	[sflag:s6] =	ssyncset.done $0x0  }
.LBB2_1:
0x11a: {  	[sflag:s6] =	ssyncadd.s32 $0xFFFFFD80  }
0x11b: {  	[tilespmem:$0x220] =	vst v0  }
0x11c: {  	[tilespmem:$0x230] =	vst v0  }
0x11d: {  	[tilespmem:$0x240] =	vst v0  }
0x11e: {  	[tilespmem:$0x250] =	vst v0  }
0x11f: {  	[tilespmem:$0x260] =	vst v0  }
0x120: {  	[tilespmem:$0x270] =	vst v0  }
0x121: {  	[tilespmem:$0x280] =	vst v0  }
0x122: {  	[tilespmem:$0x290] =	vst v0  }
0x123: {  	[tilespmem:$0x2A0] =	vst v0  }
0x124: {  	[tilespmem:$0x2B0] =	vst v0  }
0x125: {  	[tilespmem:$0x2C0] =	vst v0  }
0x126: {  	[tilespmem:$0x2D0] =	vst v0  }
0x127: {  	[tilespmem:$0x2E0] =	vst v0  }
0x128: {  	[tilespmem:$0x2F0] =	vst v0  }
0x129: {  	[tilespmem:$0x300] =	vst v0  }
0x12a: {  	[tilespmem:$0x310] =	vst v0  }
0x12b: {  	[tilespmem:$0x320] =	vst v0  }
0x12c: {  	[tilespmem:$0x330] =	vst v0  }
0x12d: {  	[tilespmem:$0x340] =	vst v0  }
0x12e: {  	[tilespmem:$0x350] =	vst v0  }
0x12f: {  	[tilespmem:$0x360] =	vst v0  }
0x130: {  	[tilespmem:$0x370] =	vst v0  }
0x131: {  	[tilespmem:$0x380] =	vst v0  }
0x132: {  	[tilespmem:$0x400] =	vst v1  }
0x133: {  	[tilespmem:$0x410] =	vst v1  }
0x134: {  	[tilespmem:$0x420] =	vst v1  }
0x135: {  	[tilespmem:$0x430] =	vst v1  }
0x136: {  	[tilespmem:$0x440] =	vst v1  }
0x137: {  	[tilespmem:$0x450] =	vst v1  }
0x138: {  	[tilespmem:$0x460] =	vst v1  }
0x139: {  	[tilespmem:$0x470] =	vst v1  }
0x13a: {  	[tilespmem:$0x200] =	vst v0  }
0x13b: {  	[tilespmem:$0x670] =	vst v1  }
0x13c: {  	[tilespmem:$0x660] =	vst v1  }
0x13d: {  	[tilespmem:$0x650] =	vst v1  }
0x13e: {  	[tilespmem:$0x640] =	vst v1  }
0x13f: {  	[tilespmem:$0x630] =	vst v1  }
0x140: {  	[tilespmem:$0x620] =	vst v1  }
0x141: {  	[tilespmem:$0x610] =	vst v1  }
0x142: {  	[tilespmem:$0x600] =	vst v1  }
0x143: {  	[tilespmem:$0x5F0] =	vst v1  }
0x144: {  	[tilespmem:$0x5E0] =	vst v1  }
0x145: {  	[tilespmem:$0x5D0] =	vst v1  }
0x146: {  	[tilespmem:$0x5C0] =	vst v1  }
0x147: {  	[tilespmem:$0x5B0] =	vst v1  }
0x148: {  	[tilespmem:$0x5A0] =	vst v1  }
0x149: {  	[tilespmem:$0x590] =	vst v1  }
0x14a: {  	[tilespmem:$0x580] =	vst v1  }
0x14b: {  	[tilespmem:$0x570] =	vst v1  }
0x14c: {  	[tilespmem:$0x560] =	vst v1  }
0x14d: {  	[tilespmem:$0x550] =	vst v1  }
0x14e: {  	[tilespmem:$0x540] =	vst v1  }
0x14f: {  	[tilespmem:$0x530] =	vst v1  }
0x150: {  	[tilespmem:$0x520] =	vst v1  }
0x151: {  	[tilespmem:$0x510] =	vst v1  }
0x152: {  	[tilespmem:$0x500] =	vst v1  }
0x153: {  	[tilespmem:$0x4F0] =	vst v1  }
0x154: {  	[tilespmem:$0x4E0] =	vst v1  }
0x155: {  	[tilespmem:$0x4D0] =	vst v1  }
0x156: {  	[tilespmem:$0x4C0] =	vst v1  }
0x157: {  	[tilespmem:$0x4B0] =	vst v1  }
0x158: {  	[tilespmem:$0x4A0] =	vst v1  }
0x159: {  	[tilespmem:$0x490] =	vst v1  }
0x15a: {  	[tilespmem:$0x480] =	vst v1  }
0x15b: {  	[tilespmem:$0x210] =	vst v0  }
0x15c: {  	[spmem:s5] =	stream.linear.scatter [tilespmem:s7], [sflag:$0x1], $0x280, $0x38;
	[tilespmem:$0xB80] =	vst v63  }
0x15d: {  	_ =	swait.ge [sflag:s6], $0x280  }
0x15e: {  	[sflag:s6] =	ssyncset.done $0x0  }
0x15f: {  	[sflag:s6] =	ssyncadd.s32 $0xFFFFFD80  }
0x160: {  	[bflag:$0x0] =	sbarrier.arrive $0xFFFF  }
0x161: {  	[tilespmem:s2], [sflag:$0x1] =	stream.linear.gather [hbm4b:s4+s2], $0x190, $0x38;
	[tilespmem:$0xB80] =	vst v63  }
0x162: {  	_ =	swait.ge [sflag:s6], $0x190  }
0x163: {  	[sflag:s6] =	ssyncset.done $0x0  }
0x164: {  	[sflag:s6] =	ssyncadd.s32 $0xFFFFFE70  }
0x165: {  	[spmem:s1] =	stream.indirect.scatter.add.f32 [tilespmem:s9], [sflag:$0x1], $0x1, s2, s8, $0xb8;
	[tilespmem:$0xB80] =	vst v63  }
0x166: {  	_ =	swait.ge [sflag:s6], $0x190  }
0x167: {  	[sflag:s6] =	ssyncset.done $0x0  }
0x168: {  	s3 =	rddreg [dreg:$0x4];
	[sflag:s6] =	ssyncadd.s32 $0xFFFFFE70  }
0x169: {  	[tilespmem:s2], [sflag:$0x1] =	stream.linear.gather [hbm4b:s3+s2], $0x190, $0x38;
	[tilespmem:$0xB80] =	vst v63  }
0x16a: {  	_ =	swait.ge [sflag:s6], $0x190  }
0x16b: {  	[sflag:s6] =	ssyncset.done $0x0  }
0x16c: {  	[sflag:s6] =	ssyncadd.s32 $0xFFFFFE70  }
0x16d: {  	[spmem:s1] =	stream.indirect.scatter.add.f32 [tilespmem:s9], [sflag:$0x1], $0x1, s2, s8, $0xb8;
	[tilespmem:$0xB80] =	vst v63  }
0x16e: {  	_ =	swait.ge [sflag:s6], $0x190  }
0x16f: {  	[sflag:s6] =	ssyncset.done $0x0  }
0x170: {  	s3 =	rddreg [dreg:$0x5];
	[sflag:s6] =	ssyncadd.s32 $0xFFFFFE70  }
0x171: {  	[tilespmem:s2], [sflag:$0x1] =	stream.linear.gather [hbm4b:s3+s2], $0x190, $0x38;
	[tilespmem:$0xB80] =	vst v63  }
0x172: {  	_ =	swait.ge [sflag:s6], $0x190  }
0x173: {  	[sflag:s6] =	ssyncset.done $0x0  }
0x174: {  	[sflag:s6] =	ssyncadd.s32 $0xFFFFFE70  }
0x175: {  	[spmem:s1] =	stream.indirect.scatter.add.f32 [tilespmem:s9], [sflag:$0x1], $0x1, s2, s8, $0xb8;
	[tilespmem:$0xB80] =	vst v63  }
0x176: {  	_ =	swait.ge [sflag:s6], $0x190  }
0x177: {  	[sflag:s6] =	ssyncset.done $0x0  }
0x178: {  	s3 =	rddreg [dreg:$0x6];
	[sflag:s6] =	ssyncadd.s32 $0xFFFFFE70  }
0x179: {  	[tilespmem:s2], [sflag:$0x1] =	stream.linear.gather [hbm4b:s3+s2], $0x190, $0x38;
	[tilespmem:$0xB80] =	vst v63  }
0x17a: {  	_ =	swait.ge [sflag:s6], $0x190  }
0x17b: {  	[sflag:s6] =	ssyncset.done $0x0  }
0x17c: {  	[sflag:s6] =	ssyncadd.s32 $0xFFFFFE70  }
0x17d: {  	[spmem:s1] =	stream.indirect.scatter.add.f32 [tilespmem:s9], [sflag:$0x1], $0x1, s2, s8, $0xb8;
	[tilespmem:$0xB80] =	vst v63  }
0x17e: {  	_ =	swait.ge [sflag:s6], $0x190  }
0x17f: {  	[sflag:s6] =	ssyncset.done $0x0  }
0x180: {  	s3 =	rddreg [dreg:$0x7];
	[sflag:s6] =	ssyncadd.s32 $0xFFFFFE70  }
0x181: {  	[tilespmem:s2], [sflag:$0x1] =	stream.linear.gather [hbm4b:s3+s2], $0x190, $0x38;
	[tilespmem:$0xB80] =	vst v63  }
0x182: {  	_ =	swait.ge [sflag:s6], $0x190  }
0x183: {  	[sflag:s6] =	ssyncset.done $0x0  }
0x184: {  	[sflag:s6] =	ssyncadd.s32 $0xFFFFFE70  }
0x185: {  	[spmem:s1] =	stream.indirect.scatter.add.f32 [tilespmem:s9], [sflag:$0x1], $0x1, s2, s8, $0xb8;
	[tilespmem:$0xB80] =	vst v63  }
0x186: {  	_ =	swait.ge [sflag:s6], $0x190  }
0x187: {  	[sflag:s6] =	ssyncset.done $0x0  }
0x188: {  	s3 =	rddreg [dreg:$0x8];
	[sflag:s6] =	ssyncadd.s32 $0xFFFFFE70  }
0x189: {  	[tilespmem:s2], [sflag:$0x1] =	stream.linear.gather [hbm4b:s3+s2], $0x190, $0x38;
	[tilespmem:$0xB80] =	vst v63  }
0x18a: {  	_ =	swait.ge [sflag:s6], $0x190  }
0x18b: {  	[sflag:s6] =	ssyncset.done $0x0  }
0x18c: {  	[sflag:s6] =	ssyncadd.s32 $0xFFFFFE70  }
0x18d: {  	[spmem:s1] =	stream.indirect.scatter.add.f32 [tilespmem:s9], [sflag:$0x1], $0x1, s2, s8, $0xb8;
	[tilespmem:$0xB80] =	vst v63  }
0x18e: {  	_ =	swait.ge [sflag:s6], $0x190  }
0x18f: {  	[sflag:s6] =	ssyncset.done $0x0  }
0x190: {  	[sflag:s6] =	ssyncadd.s32 $0xFFFFFE70  }
0x191: {  	[tilespmem:s2], [sflag:$0x1] =	stream.linear.gather [hbm4b:s10+s2], $0x190, $0x38;
	[tilespmem:$0xB80] =	vst v63  }
0x192: {  	_ =	swait.ge [sflag:s6], $0x190  }
0x193: {  	[sflag:s6] =	ssyncset.done $0x0  }
0x194: {  	[sflag:s6] =	ssyncadd.s32 $0xFFFFFE70  }
0x195: {  	[spmem:s1] =	stream.indirect.scatter.add.f32 [tilespmem:s9], [sflag:$0x1], $0x1, s2, s8, $0xb8;
	[tilespmem:$0xB80] =	vst v63  }
0x196: {  	_ =	swait.ge [sflag:s6], $0x190  }
0x197: {  	[sflag:s6] =	ssyncset.done $0x0  }
0x198: {  	[sflag:s6] =	ssyncadd.s32 $0xFFFFFE70  }
0x199: {  	[tilespmem:s2], [sflag:$0x1] =	stream.linear.gather [hbm4b:s11+s2], $0x190, $0x38;
	[tilespmem:$0xB80] =	vst v63  }
0x19a: {  	_ =	swait.ge [sflag:s6], $0x190  }
0x19b: {  	[sflag:s6] =	ssyncset.done $0x0  }
0x19c: {  	[sflag:s6] =	ssyncadd.s32 $0xFFFFFE70  }
0x19d: {  	[spmem:s1] =	stream.indirect.scatter.add.f32 [tilespmem:s9], [sflag:$0x1], $0x1, s2, s8, $0xb8;
	[tilespmem:$0xB80] =	vst v63  }
0x19e: {  	_ =	swait.ge [sflag:s6], $0x190  }
0x19f: {  	[sflag:s6] =	ssyncset.done $0x0  }
0x1a0: {  	[sflag:s6] =	ssyncadd.s32 $0xFFFFFE70  }
0x1a1: {  	[tilespmem:s2], [sflag:$0x1] =	stream.linear.gather [hbm4b:s12+s2], $0x190, $0x38;
	[tilespmem:$0xB80] =	vst v63  }
0x1a2: {  	_ =	swait.ge [sflag:s6], $0x190  }
0x1a3: {  	[sflag:s6] =	ssyncset.done $0x0  }
0x1a4: {  	[sflag:s6] =	ssyncadd.s32 $0xFFFFFE70  }
0x1a5: {  	[spmem:s1] =	stream.indirect.scatter.add.f32 [tilespmem:s9], [sflag:$0x1], $0x1, s2, s8, $0xb8;
	[tilespmem:$0xB80] =	vst v63  }
0x1a6: {  	_ =	swait.ge [sflag:s6], $0x190  }
0x1a7: {  	[sflag:s6] =	ssyncset.done $0x0  }
0x1a8: {  	[sflag:s6] =	ssyncadd.s32 $0xFFFFFE70  }
0x1a9: {  	[tilespmem:s2], [sflag:$0x1] =	stream.linear.gather [hbm4b:s13+s2], $0x190, $0x38;
	[tilespmem:$0xB80] =	vst v63  }
0x1aa: {  	_ =	swait.ge [sflag:s6], $0x190  }
0x1ab: {  	[sflag:s6] =	ssyncset.done $0x0  }
0x1ac: {  	[sflag:s6] =	ssyncadd.s32 $0xFFFFFE70  }
0x1ad: {  	[spmem:s1] =	stream.indirect.scatter.add.f32 [tilespmem:s9], [sflag:$0x1], $0x1, s2, s8, $0xb8;
	[tilespmem:$0xB80] =	vst v63  }
0x1ae: {  	_ =	swait.ge [sflag:s6], $0x190  }
0x1af: {  	[sflag:s6] =	ssyncset.done $0x0  }
0x1b0: {  	[sflag:s6] =	ssyncadd.s32 $0xFFFFFE70  }
0x1b1: {  	[tilespmem:s2], [sflag:$0x1] =	stream.linear.gather [hbm4b:s14+s2], $0x190, $0x38;
	[tilespmem:$0xB80] =	vst v63  }
0x1b2: {  	_ =	swait.ge [sflag:s6], $0x190  }
0x1b3: {  	[sflag:s6] =	ssyncset.done $0x0  }
0x1b4: {  	[sflag:s6] =	ssyncadd.s32 $0xFFFFFE70  }
0x1b5: {  	[spmem:s1] =	stream.indirect.scatter.add.f32 [tilespmem:s9], [sflag:$0x1], $0x1, s2, s8, $0xb8;
	[tilespmem:$0xB80] =	vst v63  }
0x1b6: {  	_ =	swait.ge [sflag:s6], $0x190  }
0x1b7: {  	[sflag:s6] =	ssyncset.done $0x0  }
0x1b8: {  	[sflag:s6] =	ssyncadd.s32 $0xFFFFFE70  }
0x1b9: {  	[tilespmem:s2], [sflag:$0x1] =	stream.linear.gather [hbm4b:s15+s2], $0x190, $0x38;
	[tilespmem:$0xB80] =	vst v63  }
0x1ba: {  	_ =	swait.ge [sflag:s6], $0x190  }
0x1bb: {  	[sflag:s6] =	ssyncset.done $0x0  }
0x1bc: {  	[sflag:s6] =	ssyncadd.s32 $0xFFFFFE70  }
0x1bd: {  	[spmem:s1] =	stream.indirect.scatter.add.f32 [tilespmem:s9], [sflag:$0x1], $0x1, s2, s8, $0xb8;
	[tilespmem:$0xB80] =	vst v63  }
0x1be: {  	_ =	swait.ge [sflag:s6], $0x190  }
0x1bf: {  	[sflag:s6] =	ssyncset.done $0x0  }
0x1c0: {  	[sflag:s6] =	ssyncadd.s32 $0xFFFFFE70  }
0x1c1: {  	[tilespmem:s2], [sflag:$0x1] =	stream.linear.gather [hbm4b:s16+s2], $0x190, $0x38;
	[tilespmem:$0xB80] =	vst v63  }
0x1c2: {  	_ =	swait.ge [sflag:s6], $0x190  }
0x1c3: {  	[sflag:s6] =	ssyncset.done $0x0  }
0x1c4: {  	[sflag:s6] =	ssyncadd.s32 $0xFFFFFE70  }
0x1c5: {  	[spmem:s1] =	stream.indirect.scatter.add.f32 [tilespmem:s9], [sflag:$0x1], $0x1, s2, s8, $0xb8;
	[tilespmem:$0xB80] =	vst v63  }
0x1c6: {  	_ =	swait.ge [sflag:s6], $0x190  }
0x1c7: {  	[sflag:s6] =	ssyncset.done $0x0  }
0x1c8: {  	[sflag:s6] =	ssyncadd.s32 $0xFFFFFE70  }
0x1c9: {  	[tilespmem:s2], [sflag:$0x1] =	stream.linear.gather [hbm4b:s17+s2], $0x190, $0x38;
	[tilespmem:$0xB80] =	vst v63  }
0x1ca: {  	_ =	swait.ge [sflag:s6], $0x190  }
0x1cb: {  	[sflag:s6] =	ssyncset.done $0x0  }
0x1cc: {  	[sflag:s6] =	ssyncadd.s32 $0xFFFFFE70  }
0x1cd: {  	[spmem:s1] =	stream.indirect.scatter.add.f32 [tilespmem:s9], [sflag:$0x1], $0x1, s2, s8, $0xb8;
	[tilespmem:$0xB80] =	vst v63  }
0x1ce: {  	_ =	swait.ge [sflag:s6], $0x190  }
0x1cf: {  	[sflag:s6] =	ssyncset.done $0x0  }
0x1d0: {  	[sflag:s6] =	ssyncadd.s32 $0xFFFFFE70  }
0x1d1: {  	[tilespmem:s2], [sflag:$0x1] =	stream.linear.gather [hbm4b:s18+s2], $0x190, $0x38;
	[tilespmem:$0xB80] =	vst v63  }
0x1d2: {  	_ =	swait.ge [sflag:s6], $0x190  }
0x1d3: {  	[sflag:s6] =	ssyncset.done $0x0  }
0x1d4: {  	[sflag:s6] =	ssyncadd.s32 $0xFFFFFE70  }
0x1d5: {  	[spmem:s1] =	stream.indirect.scatter.add.f32 [tilespmem:s9], [sflag:$0x1], $0x1, s2, s8, $0xb8;
	[tilespmem:$0xB80] =	vst v63  }
0x1d6: {  	_ =	swait.ge [sflag:s6], $0x190  }
0x1d7: {  	[sflag:s6] =	ssyncset.done $0x0  }
0x1d8: {  	[sflag:s6] =	ssyncadd.s32 $0xFFFFFE70  }
0x1d9: {  	[tilespmem:s2], [sflag:$0x1] =	stream.linear.gather [hbm4b:s19+s2], $0x190, $0x38;
	[tilespmem:$0xB80] =	vst v63  }
0x1da: {  	_ =	swait.ge [sflag:s6], $0x190  }
0x1db: {  	[sflag:s6] =	ssyncset.done $0x0  }
0x1dc: {  	[sflag:s6] =	ssyncadd.s32 $0xFFFFFE70  }
0x1dd: {  	[spmem:s1] =	stream.indirect.scatter.add.f32 [tilespmem:s9], [sflag:$0x1], $0x1, s2, s8, $0xb8;
	[tilespmem:$0xB80] =	vst v63  }
0x1de: {  	_ =	swait.ge [sflag:s6], $0x190  }
0x1df: {  	[sflag:s6] =	ssyncset.done $0x0  }
0x1e0: {  	[sflag:s6] =	ssyncadd.s32 $0xFFFFFE70  }
0x1e1: {  	[tilespmem:s2], [sflag:$0x1] =	stream.linear.gather [hbm4b:s20+s2], $0x190, $0x38;
	[tilespmem:$0xB80] =	vst v63  }
0x1e2: {  	_ =	swait.ge [sflag:s6], $0x190  }
0x1e3: {  	[sflag:s6] =	ssyncset.done $0x0  }
0x1e4: {  	[sflag:s6] =	ssyncadd.s32 $0xFFFFFE70  }
0x1e5: {  	[spmem:s1] =	stream.indirect.scatter.add.f32 [tilespmem:s9], [sflag:$0x1], $0x1, s2, s8, $0xb8;
	[tilespmem:$0xB80] =	vst v63  }
0x1e6: {  	_ =	swait.ge [sflag:s6], $0x190  }
0x1e7: {  	[sflag:s6] =	ssyncset.done $0x0  }
0x1e8: {  	[sflag:s6] =	ssyncadd.s32 $0xFFFFFE70  }
0x1e9: {  	[tilespmem:s2], [sflag:$0x1] =	stream.linear.gather [hbm4b:s21+s2], $0x190, $0x38;
	[tilespmem:$0xB80] =	vst v63  }
0x1ea: {  	_ =	swait.ge [sflag:s6], $0x190  }
0x1eb: {  	[sflag:s6] =	ssyncset.done $0x0  }
0x1ec: {  	[sflag:s6] =	ssyncadd.s32 $0xFFFFFE70  }
0x1ed: {  	[spmem:s1] =	stream.indirect.scatter.add.f32 [tilespmem:s9], [sflag:$0x1], $0x1, s2, s8, $0xb8;
	[tilespmem:$0xB80] =	vst v63  }
0x1ee: {  	_ =	swait.ge [sflag:s6], $0x190  }
0x1ef: {  	[sflag:s6] =	ssyncset.done $0x0  }
0x1f0: {  	[sflag:s6] =	ssyncadd.s32 $0xFFFFFE70  }
0x1f1: {  	[tilespmem:s2], [sflag:$0x1] =	stream.linear.gather [hbm4b:s22+s2], $0x190, $0x38;
	[tilespmem:$0xB80] =	vst v63  }
0x1f2: {  	_ =	swait.ge [sflag:s6], $0x190  }
0x1f3: {  	[sflag:s6] =	ssyncset.done $0x0  }
0x1f4: {  	[sflag:s6] =	ssyncadd.s32 $0xFFFFFE70  }
0x1f5: {  	[spmem:s1] =	stream.indirect.scatter.add.f32 [tilespmem:s9], [sflag:$0x1], $0x1, s2, s8, $0xb8;
	[tilespmem:$0xB80] =	vst v63  }
0x1f6: {  	_ =	swait.ge [sflag:s6], $0x190  }
0x1f7: {  	[sflag:s6] =	ssyncset.done $0x0  }
0x1f8: {  	[sflag:s6] =	ssyncadd.s32 $0xFFFFFE70  }
0x1f9: {  	[tilespmem:s2], [sflag:$0x1] =	stream.linear.gather [hbm4b:s23+s2], $0x190, $0x38;
	[tilespmem:$0xB80] =	vst v63  }
0x1fa: {  	_ =	swait.ge [sflag:s6], $0x190  }
0x1fb: {  	[sflag:s6] =	ssyncset.done $0x0  }
0x1fc: {  	[sflag:s6] =	ssyncadd.s32 $0xFFFFFE70  }
0x1fd: {  	[spmem:s1] =	stream.indirect.scatter.add.f32 [tilespmem:s9], [sflag:$0x1], $0x1, s2, s8, $0xb8;
	[tilespmem:$0xB80] =	vst v63  }
0x1fe: {  	_ =	swait.ge [sflag:s6], $0x190  }
0x1ff: {  	[sflag:s6] =	ssyncset.done $0x0  }
0x200: {  	[sflag:s6] =	ssyncadd.s32 $0xFFFFFE70  }
0x201: {  	[tilespmem:s2], [sflag:$0x1] =	stream.linear.gather [hbm4b:s24+s2], $0x190, $0x38;
	[tilespmem:$0xB80] =	vst v63  }
0x202: {  	_ =	swait.ge [sflag:s6], $0x190  }
0x203: {  	[sflag:s6] =	ssyncset.done $0x0  }
0x204: {  	[sflag:s6] =	ssyncadd.s32 $0xFFFFFE70  }
0x205: {  	[spmem:s1] =	stream.indirect.scatter.add.f32 [tilespmem:s9], [sflag:$0x1], $0x1, s2, s8, $0xb8;
	[tilespmem:$0xB80] =	vst v63  }
0x206: {  	_ =	swait.ge [sflag:s6], $0x190  }
0x207: {  	[sflag:s6] =	ssyncset.done $0x0  }
0x208: {  	[sflag:s6] =	ssyncadd.s32 $0xFFFFFE70  }
0x209: {  	[tilespmem:s2], [sflag:$0x1] =	stream.linear.gather [hbm4b:s25+s2], $0x190, $0x38;
	[tilespmem:$0xB80] =	vst v63  }
0x20a: {  	_ =	swait.ge [sflag:s6], $0x190  }
0x20b: {  	[sflag:s6] =	ssyncset.done $0x0  }
0x20c: {  	[sflag:s6] =	ssyncadd.s32 $0xFFFFFE70  }
0x20d: {  	[spmem:s1] =	stream.indirect.scatter.add.f32 [tilespmem:s9], [sflag:$0x1], $0x1, s2, s8, $0xb8;
	[tilespmem:$0xB80] =	vst v63  }
0x20e: {  	_ =	swait.ge [sflag:s6], $0x190  }
0x20f: {  	[sflag:s6] =	ssyncset.done $0x0  }
0x210: {  	[sflag:s6] =	ssyncadd.s32 $0xFFFFFE70  }
0x211: {  	[tilespmem:s2], [sflag:$0x1] =	stream.linear.gather [hbm4b:s26+s2], $0x190, $0x38;
	[tilespmem:$0xB80] =	vst v63  }
0x212: {  	_ =	swait.ge [sflag:s6], $0x190  }
0x213: {  	[sflag:s6] =	ssyncset.done $0x0  }
0x214: {  	[sflag:s6] =	ssyncadd.s32 $0xFFFFFE70  }
0x215: {  	[spmem:s1] =	stream.indirect.scatter.add.f32 [tilespmem:s9], [sflag:$0x1], $0x1, s2, s8, $0xb8;
	[tilespmem:$0xB80] =	vst v63  }
0x216: {  	_ =	swait.ge [sflag:s6], $0x190  }
0x217: {  	[sflag:s6] =	ssyncset.done $0x0  }
0x218: {  	[sflag:s6] =	ssyncadd.s32 $0xFFFFFE70  }
0x219: {  	[tilespmem:s2], [sflag:$0x1] =	stream.linear.gather [hbm4b:s28+s2], $0x190, $0x38;
	[tilespmem:$0xB80] =	vst v63  }
0x21a: {  	_ =	swait.ge [sflag:s6], $0x190  }
0x21b: {  	[sflag:s6] =	ssyncset.done $0x0  }
0x21c: {  	[sflag:s6] =	ssyncadd.s32 $0xFFFFFE70  }
0x21d: {  	[spmem:s1] =	stream.indirect.scatter.add.f32 [tilespmem:s9], [sflag:$0x1], $0x1, s2, s8, $0xb8;
	[tilespmem:$0xB80] =	vst v63  }
0x21e: {  	_ =	swait.ge [sflag:s6], $0x190  }
0x21f: {  	[sflag:s6] =	ssyncset.done $0x0  }
0x220: {  	[sflag:s6] =	ssyncadd.s32 $0xFFFFFE70  }
0x221: {  	[tilespmem:s2], [sflag:$0x1] =	stream.linear.gather [hbm4b:s29+s2], $0x190, $0x38;
	[tilespmem:$0xB80] =	vst v63  }
0x222: {  	_ =	swait.ge [sflag:s6], $0x190  }
0x223: {  	[sflag:s6] =	ssyncset.done $0x0  }
0x224: {  	[sflag:s6] =	ssyncadd.s32 $0xFFFFFE70  }
0x225: {  	[spmem:s1] =	stream.indirect.scatter.add.f32 [tilespmem:s9], [sflag:$0x1], $0x1, s2, s8, $0xb8;
	[tilespmem:$0xB80] =	vst v63  }
0x226: {  	_ =	swait.ge [sflag:s6], $0x190  }
0x227: {  	[sflag:s6] =	ssyncset.done $0x0  }
0x228: {  	[sflag:s6] =	ssyncadd.s32 $0xFFFFFE70  }
0x229: {  	[bflag:$0x0] =	sbarrier.arrive $0xFFFF  }
0x22a: {  	[tilespmem:s30], [sflag:$0x1] =	stream.linear.gather [spmem:s5], $0x280, $0x38;
	[tilespmem:$0xB80] =	vst v63  }
0x22b: {  	p0 =	sne.s32 s0, $0x1;
	_ =	swait.ge [sflag:s6], $0x280  }
.Ltmp1:
0x22c: {  	[sflag:s6] =	ssyncset.done $0x0;
	(pc) =	sbr.rel @p0 .LBB2_1-.Ltmp1, $4  }
0x22d: {  	[sflag:s6] =	ssyncadd.s32 $0xFFFFFD80  }
0x22e: {  	[hbm4b:s31+s2] =	stream.linear.scatter [tilespmem:s30], [sflag:$0x1], $0x280, $0x38;
	[tilespmem:$0xB80] =	vst v63  }
0x22f: {  	_ =	swait.ge [sflag:s6], $0x280  }
0x230: {  	s0 =	sadd.s32 $0xFFFFFFFF, s0;
	[sflag:s6] =	ssyncset.done $0x0  }
.LBB2_2:
0x231: {  	[sflag:s6] =	ssyncadd.s32 $0xFFFFFD80  }
0x232: {  	_ =	sfence.sel $0x180000  }
0x233: {  	[bflag:$0x0] =	sbarrier.arrive $0xFFFF  }
0x234: {  	_ =	strace $0x90000047  }
0x235: {  	s0 =	stileid.u32;
	[bflag:$0x2] =	sbarrier.arrive $0xFFFF  }
0x236: {  	p0 =	sne.s32 s0, $0x0;
	s0 =	rddreg [dreg:$0x3]  }
0x237: {  	s0 =	sadd.s32 @!p0 $0x100000, s0  }
0x238: {  	[sflag:s0] =	ssyncadd.tile.s32 @!p0 $0x1;
	_ =	shalt  }
.Lfunc_end2:
_tile_overlayer_lowered:
.L_overlay_start_2:
0x239: {  	(tag) =	ssettag $0x2  }
0x23a: {  	s0 =	rddreg [dreg:$0x0];
	s2 =	stileid.u32  }
0x23b: {  	s1 =	rddreg [dreg:$0x1];
	p0 =	sne.s32 s2, $0x0  }
0x23c: {  	s3 =	rddreg [dreg:$0x2];
	[bflag:$0x3] =	sbarrier.arrive $0xFFFF;
	s2 =	simm.s32 @!p0 $0x1C01  }
0x23d: {  	[timem:s3], [sflag:s2] =	dma.local @!p0 [hbm:s0], s1  }
0x23e: {  	s0 =	simm.s32 @!p0 $0x1  }
0x23f: {  	_ =	swait.ge @!p0 [sflag:s0], s1  }
0x240: {  	s1 =	ssub.s32 @!p0 $0x0, s1;
	[sflag:s0] =	ssyncset.done @!p0 $0x0  }
0x241: {  	[sflag:s0] =	ssyncadd.s32 @!p0 s1  }
0x242: {  	[bflag:$0x3] =	sbarrier.arrive $0xFFFF  }
0x243: {  	_ =	shalt  }

</sc_bundles>
